<compile_context>
chip_gen: v7x
topology: tpu7x:2x2x1
jax: 0.10.2.dev20260603
libtpu: 0.0.44.dev20260713+nightly
codegen_flags: <defaults>
</compile_context>

<pallas_src>
import functools

import jax
import jax.numpy as jnp
from jax import lax
from jax.experimental import pallas as pl
from jax.experimental.pallas import tpu as pltpu
from jax.experimental.pallas import tpu_sc as plsc

NC = 2
NS = 16
NW = NC * NS
LANES = 16
CHUNK = 128


def _gather_scale(idx2d, table):
    nchunks_total, chunk = idx2d.shape
    _, d = table.shape
    nch = nchunks_total // NW
    total = nchunks_total * chunk
    scale = jnp.float32(d) ** 0.5

    mesh = plsc.VectorSubcoreMesh(core_axis_name="c", subcore_axis_name="s")

    @functools.partial(
        pl.kernel,
        mesh=mesh,
        compiler_params=pltpu.CompilerParams(use_tc_tiling_on_sc=False),
        out_type=jax.ShapeDtypeStruct((total, d), jnp.float32),
        scratch_types=[
            pltpu.VMEM((nch, chunk), jnp.int32),
            pltpu.VMEM((2, chunk, d), jnp.float32),
            pltpu.SemaphoreType.DMA,
            pltpu.SemaphoreType.DMA,
        ],
    )
    def k(idx_hbm, tab_hbm, out_hbm, idx_v, rows_v, g0, g1):
        wid = lax.axis_index("s") * NC + lax.axis_index("c")
        cbase = wid * nch

        pltpu.sync_copy(idx_hbm.at[pl.ds(cbase, nch)], idx_v)

        def g_desc(j, b, sem):
            return pltpu.make_async_copy(
                tab_hbm.at[idx_v.at[j]], rows_v.at[b], sem)

        g_desc(0, 0, g0).start()
        g_desc(1, 1, g1).start()

        def pair(i, _):
            for b, sem in ((0, g0), (1, g1)):
                j = i * 2 + b
                g_desc(j, b, sem).wait()

                def scale_body(r, _, b=b):
                    for dr in range(4):
                        for c in range(d // LANES):
                            sl = (b, r * 4 + dr, pl.ds(c * LANES, LANES))
                            rows_v[sl] = rows_v[sl] * scale
                    return 0

                lax.fori_loop(0, chunk // 4, scale_body, 0)

                pltpu.sync_copy(
                    rows_v.at[b],
                    out_hbm.at[pl.ds((cbase + j) * chunk, chunk)])

                @pl.when(j + 2 < nch)
                def _(j=j, b=b, sem=sem):
                    g_desc(j + 2, b, sem).start()
            return 0

        lax.fori_loop(0, nch // 2, pair, 0)

    return k(idx2d, table)


def kernel(x, input_embedding):
    bx, hx = x.shape
    _, d = input_embedding.shape
    total = bx * hx
    idx2d = x.reshape(total // CHUNK, CHUNK)
    out = _gather_scale(idx2d, input_embedding)
    return out.reshape(bx, hx, d)

# --- scband reference (transcript-rebuilt; emitter-appended) ---
"""Pipeline reference for scband-embedder-11974368821688 (READ-ONLY COPY).

The authoritative reference and input builder live on the scoring server;
editing this copy changes nothing except your own understanding.
"""

import jax, jax.numpy as jnp
import numpy as np

VOCAB = 1000000
EMBED_DIM = 64
BATCH = 4096
HIST = 200


def setup_inputs(seed: int = 0) -> dict:
    key = jax.random.key(seed)
    k_idx, k_tab = jax.random.split(key)
    x = jax.random.randint(k_idx, (BATCH, HIST), 0, VOCAB, dtype=jnp.int32)
    # learned parameter: embedding table, normal init (stddev ~ default nnx.initializers.normal())
    input_embedding = jax.random.normal(k_tab, (VOCAB, EMBED_DIM), dtype=jnp.float32) * 0.01
    return {"x": x, "input_embedding": input_embedding}


def reference(x, input_embedding):
    # Embedder.encode: gather rows then scale by sqrt(embed_dim)
    out = jnp.take(input_embedding, x, axis=0)
    out = out * jnp.sqrt(jnp.asarray(out.shape[-1], dtype=out.dtype))
    return out

if __name__ == "__main__":
    import jax
    _d = setup_inputs()
    print(jax.jit(kernel)(*tuple(_d.values())))

</pallas_src>

<mosaic_0001>
#map = affine_map<(d0, d1) -> (0, 0)>
#map1 = affine_map<(d0, d1) -> (0)>
module attributes {stable_mosaic.version = 14 : i64} {
  func.func @_rewritten_body(%arg0: i32, %arg1: i32, %arg2: memref<6400x128xi32, #tpu.memory_space<hbm>>, %arg3: memref<1000000x64xf32, #tpu.memory_space<hbm>>, %arg4: memref<1xf32, #tpu.memory_space<hbm>>, %arg5: memref<819200x64xf32, #tpu.memory_space<hbm>>, %arg6: memref<200x128xi32, #tpu.memory_space<vmem>>, %arg7: memref<2x128x64xf32, #tpu.memory_space<vmem>>, %arg8: memref<!tpu.dma_semaphore, #tpu.memory_space<semaphore_mem>>, %arg9: memref<!tpu.dma_semaphore, #tpu.memory_space<semaphore_mem>>) attributes {dimension_semantics = [#tpu.dimension_semantics<core_parallel>, #tpu.dimension_semantics<subcore_parallel>], iteration_bounds = array<i64: 2, 16>, scalar_prefetch = 0 : i64, scratch_operands = 4 : i64, tpu.core_type = #tpu.core_type<sc_vector_subcore>, window_params = [{transform_indices = #map}, {transform_indices = #map}, {transform_indices = #map1}, {transform_indices = #map}]} {
    %empty_ref3A = memref.alloca() : memref<16xf32, #tpu.memory_space<vmem>>
    "tpu.region"() ({
      %run_scoped3A = tpu.sem_alloc : memref<!tpu.dma_semaphore, #tpu.memory_space<semaphore_mem>>
      %dma_start3A_34 = arith.constant 0 : i32
      %dma_start3A_35 = tpu.memref_slice %empty_ref3A[%dma_start3A_34] : memref<16xf32, #tpu.memory_space<vmem>> -> memref<1xf32, #tpu.memory_space<vmem>>
      %dma_start3A_36 = arith.constant 0 : i32
      %dma_start3A_37 = tpu.memref_slice %empty_ref3A[%dma_start3A_36] : memref<16xf32, #tpu.memory_space<vmem>> -> memref<1xf32, #tpu.memory_space<vmem>>
      tpu.enqueue_dma source(%arg4 : memref<1xf32, #tpu.memory_space<hbm>>) target(%dma_start3A_37 : memref<1xf32, #tpu.memory_space<vmem>>) target_semaphore(%run_scoped3A : memref<!tpu.dma_semaphore, #tpu.memory_space<semaphore_mem>>)
      %dma_wait3A = arith.constant 0 : i32
      %dma_wait3A_38 = tpu.memref_slice %empty_ref3A[%dma_wait3A] : memref<16xf32, #tpu.memory_space<vmem>> -> memref<1xf32, #tpu.memory_space<vmem>>
      %dma_wait3A_39 = arith.constant 0 : i32
      %dma_wait3A_40 = tpu.memref_slice %empty_ref3A[%dma_wait3A_39] : memref<16xf32, #tpu.memory_space<vmem>> -> memref<1xf32, #tpu.memory_space<vmem>>
      tpu.wait_dma2 semaphore(%run_scoped3A : memref<!tpu.dma_semaphore, #tpu.memory_space<semaphore_mem>>) src(%arg4 : memref<1xf32, #tpu.memory_space<hbm>>) dst(%dma_wait3A_40 : memref<1xf32, #tpu.memory_space<vmem>>)
      tpu.yield
    }) : () -> ()
    %get3A = arith.constant 0 : index
    %get3A_0 = tpu.vector_load %empty_ref3A[%get3A] {strides = array<i32>} : memref<16xf32, #tpu.memory_space<vmem>>, vector<16xf32>,
    %get3A_1 = vector.shape_cast %get3A_0 : vector<16xf32> to vector<16xf32>
    %slice3A = vector.extract_strided_slice %get3A_1 {offsets = [0], sizes = [1], strides = [1]} : vector<16xf32> to vector<1xf32>
    %squeeze3A = vector.extract %slice3A[0] : f32 from vector<1xf32>
    %mul3A = arith.constant 2 : i32
    %mul3A_2 = arith.muli %arg1, %mul3A : i32
    %add3A = arith.addi %mul3A_2, %arg0 : i32
    %mul3A_3 = arith.constant 200 : i32
    %mul3A_4 = arith.muli %add3A, %mul3A_3 : i32
    "tpu.region"() ({
      %run_scoped3A = tpu.sem_alloc : memref<!tpu.dma_semaphore, #tpu.memory_space<semaphore_mem>>
      %dma_start3A_34 = arith.constant 0 : i32
      %dma_start3A_35 = tpu.memref_slice %arg2[%mul3A_4, %dma_start3A_34] : memref<6400x128xi32, #tpu.memory_space<hbm>> -> memref<200x128xi32, #tpu.memory_space<hbm>>
      %dma_start3A_36 = arith.constant 0 : i32
      %dma_start3A_37 = tpu.memref_slice %arg2[%mul3A_4, %dma_start3A_36] : memref<6400x128xi32, #tpu.memory_space<hbm>> -> memref<200x128xi32, #tpu.memory_space<hbm>>
      tpu.enqueue_dma source(%dma_start3A_37 : memref<200x128xi32, #tpu.memory_space<hbm>>) target(%arg6 : memref<200x128xi32, #tpu.memory_space<vmem>>) target_semaphore(%run_scoped3A : memref<!tpu.dma_semaphore, #tpu.memory_space<semaphore_mem>>)
      %dma_wait3A = arith.constant 0 : i32
      %dma_wait3A_38 = tpu.memref_slice %arg2[%mul3A_4, %dma_wait3A] : memref<6400x128xi32, #tpu.memory_space<hbm>> -> memref<200x128xi32, #tpu.memory_space<hbm>>
      %dma_wait3A_39 = arith.constant 0 : i32
      %dma_wait3A_40 = tpu.memref_slice %arg2[%mul3A_4, %dma_wait3A_39] : memref<6400x128xi32, #tpu.memory_space<hbm>> -> memref<200x128xi32, #tpu.memory_space<hbm>>
      tpu.wait_dma2 semaphore(%run_scoped3A : memref<!tpu.dma_semaphore, #tpu.memory_space<semaphore_mem>>) src(%dma_wait3A_40 : memref<200x128xi32, #tpu.memory_space<hbm>>) dst(%arg6 : memref<200x128xi32, #tpu.memory_space<vmem>>)
      tpu.yield
    }) : () -> ()
    %dma_start3A = arith.constant 0 : i32
    %dma_start3A_5 = arith.constant 0 : i32
    %dma_start3A_6 = arith.constant 0 : i32
    %dma_start3A_7 = arith.constant 0 : i32
    %dma_start3A_8 = tpu.memref_slice %arg7[%dma_start3A_5, %dma_start3A_6, %dma_start3A_7] : memref<2x128x64xf32, #tpu.memory_space<vmem>> -> memref<1x128x64xf32, #tpu.memory_space<vmem>>
    %dma_start3A_9 = tpu.memref_squeeze %dma_start3A_8 : memref<1x128x64xf32, #tpu.memory_space<vmem>> -> memref<128x64xf32, #tpu.memory_space<vmem>>
    %dma_start3A_10 = arith.constant 0 : i32
    %dma_start3A_11 = tpu.memref_slice %arg6[%dma_start3A, %dma_start3A_10] : memref<200x128xi32, #tpu.memory_space<vmem>> -> memref<1x128xi32, #tpu.memory_space<vmem>>
    %dma_start3A_12 = tpu.memref_squeeze %dma_start3A_11 : memref<1x128xi32, #tpu.memory_space<vmem>> -> memref<128xi32, #tpu.memory_space<vmem>>
    %dma_start3A_13 = arith.constant 0 : i32
    %dma_start3A_14 = arith.constant 0 : i32
    %dma_start3A_15 = tpu.memref_slice %arg3[%dma_start3A_13, %dma_start3A_14] : memref<1000000x64xf32, #tpu.memory_space<hbm>> -> memref<1000000x64xf32, #tpu.memory_space<hbm>>
    tpu.enqueue_indirect_dma source(%dma_start3A_15 : memref<1000000x64xf32, #tpu.memory_space<hbm>>) target(%dma_start3A_9 : memref<128x64xf32, #tpu.memory_space<vmem>>) offsets(%dma_start3A_12 : memref<128xi32, #tpu.memory_space<vmem>>) semaphore(%arg8 : memref<!tpu.dma_semaphore, #tpu.memory_space<semaphore_mem>>)
    %dma_start3A_16 = arith.constant 1 : i32
    %dma_start3A_17 = arith.constant 1 : i32
    %dma_start3A_18 = arith.constant 0 : i32
    %dma_start3A_19 = arith.constant 0 : i32
    %dma_start3A_20 = tpu.memref_slice %arg7[%dma_start3A_17, %dma_start3A_18, %dma_start3A_19] : memref<2x128x64xf32, #tpu.memory_space<vmem>> -> memref<1x128x64xf32, #tpu.memory_space<vmem>>
    %dma_start3A_21 = tpu.memref_squeeze %dma_start3A_20 : memref<1x128x64xf32, #tpu.memory_space<vmem>> -> memref<128x64xf32, #tpu.memory_space<vmem>>
    %dma_start3A_22 = arith.constant 0 : i32
    %dma_start3A_23 = tpu.memref_slice %arg6[%dma_start3A_16, %dma_start3A_22] : memref<200x128xi32, #tpu.memory_space<vmem>> -> memref<1x128xi32, #tpu.memory_space<vmem>>
    %dma_start3A_24 = tpu.memref_squeeze %dma_start3A_23 : memref<1x128xi32, #tpu.memory_space<vmem>> -> memref<128xi32, #tpu.memory_space<vmem>>
    %dma_start3A_25 = arith.constant 0 : i32
    %dma_start3A_26 = arith.constant 0 : i32
    %dma_start3A_27 = tpu.memref_slice %arg3[%dma_start3A_25, %dma_start3A_26] : memref<1000000x64xf32, #tpu.memory_space<hbm>> -> memref<1000000x64xf32, #tpu.memory_space<hbm>>
    tpu.enqueue_indirect_dma source(%dma_start3A_27 : memref<1000000x64xf32, #tpu.memory_space<hbm>>) target(%dma_start3A_21 : memref<128x64xf32, #tpu.memory_space<vmem>>) offsets(%dma_start3A_24 : memref<128xi32, #tpu.memory_space<vmem>>) semaphore(%arg9 : memref<!tpu.dma_semaphore, #tpu.memory_space<semaphore_mem>>)
    %scan3A = arith.constant 0 : i32
    %scan3A_28 = arith.constant 0 : i32
    %scan3A_29 = arith.constant 100 : i32
    %scan3A_30 = arith.addi %scan3A_28, %scan3A_29 : i32
    %scan3A_31 = arith.constant 1 : i32
    %scan3A_32 = scf.for %scan3A_34 = %scan3A_28 to %scan3A_30 step %scan3A_31 iter_args(%scan3A_35 = %scan3A) -> (i32)  : i32 {
      %mul3A_36 = arith.constant 2 : i32
      %mul3A_37 = arith.muli %scan3A_34, %mul3A_36 : i32
      %add3A_38 = arith.constant 0 : i32
      %add3A_39 = arith.addi %mul3A_37, %add3A_38 : i32
      %dma_wait3A = arith.constant 0 : i32
      %dma_wait3A_40 = arith.constant 0 : i32
      %dma_wait3A_41 = arith.constant 0 : i32
      %dma_wait3A_42 = tpu.memref_slice %arg7[%dma_wait3A, %dma_wait3A_40, %dma_wait3A_41] : memref<2x128x64xf32, #tpu.memory_space<vmem>> -> memref<1x128x64xf32, #tpu.memory_space<vmem>>
      %dma_wait3A_43 = tpu.memref_squeeze %dma_wait3A_42 : memref<1x128x64xf32, #tpu.memory_space<vmem>> -> memref<128x64xf32, #tpu.memory_space<vmem>>
      %dma_wait3A_44 = arith.constant 0 : i32
      %dma_wait3A_45 = tpu.memref_slice %arg6[%add3A_39, %dma_wait3A_44] : memref<200x128xi32, #tpu.memory_space<vmem>> -> memref<1x128xi32, #tpu.memory_space<vmem>>
      %dma_wait3A_46 = tpu.memref_squeeze %dma_wait3A_45 : memref<1x128xi32, #tpu.memory_space<vmem>> -> memref<128xi32, #tpu.memory_space<vmem>>
      %dma_wait3A_47 = arith.constant 0 : i32
      %dma_wait3A_48 = arith.constant 0 : i32
      %dma_wait3A_49 = tpu.memref_slice %arg3[%dma_wait3A_47, %dma_wait3A_48] : memref<1000000x64xf32, #tpu.memory_space<hbm>> -> memref<1000000x64xf32, #tpu.memory_space<hbm>>
      tpu.wait_indirect_dma semaphore(%arg8 : memref<!tpu.dma_semaphore, #tpu.memory_space<semaphore_mem>>) src(%dma_wait3A_49 : memref<1000000x64xf32, #tpu.memory_space<hbm>>) dst(%dma_wait3A_43 : memref<128x64xf32, #tpu.memory_space<vmem>>)
      %scan3A_50 = arith.constant 0 : i32
      %scan3A_51 = arith.constant 0 : i32
      %scan3A_52 = arith.constant 32 : i32
      %scan3A_53 = arith.addi %scan3A_51, %scan3A_52 : i32
      %scan3A_54 = arith.constant 1 : i32
      %scan3A_55 = scf.for %scan3A_98 = %scan3A_51 to %scan3A_53 step %scan3A_54 iter_args(%scan3A_99 = %scan3A_50) -> (i32)  : i32 {
        %mul3A_100 = arith.constant 4 : i32
        %mul3A_101 = arith.muli %scan3A_98, %mul3A_100 : i32
        %add3A_102 = arith.constant 0 : i32
        %add3A_103 = arith.addi %mul3A_101, %add3A_102 : i32
        %get3A_104 = arith.constant 0 : i32
        %get3A_105 = arith.index_cast %get3A_104 : i32 to index
        %get3A_106 = arith.index_cast %add3A_103 : i32 to index
        %get3A_107 = arith.constant 0 : index
        %get3A_108 = tpu.vector_load %arg7[%get3A_105, %get3A_106, %get3A_107] {strides = array<i32>} : memref<2x128x64xf32, #tpu.memory_space<vmem>>, vector<1x1x16xf32>,
        %get3A_109 = vector.shape_cast %get3A_108 : vector<1x1x16xf32> to vector<16xf32>
        %mul3A_110 = vector.broadcast %squeeze3A : f32 to vector<16xf32>
        %mul3A_111 = arith.mulf %get3A_109, %mul3A_110 : vector<16xf32>
        %swap3A = arith.constant 0 : i32
        %swap3A_112 = arith.index_cast %swap3A : i32 to index
        %swap3A_113 = arith.index_cast %add3A_103 : i32 to index
        %swap3A_114 = arith.constant 0 : index
        %swap3A_115 = tpu.vector_load %arg7[%swap3A_112, %swap3A_113, %swap3A_114] {strides = array<i32>} : memref<2x128x64xf32, #tpu.memory_space<vmem>>, vector<1x1x16xf32>,
        %swap3A_116 = vector.shape_cast %swap3A_115 : vector<1x1x16xf32> to vector<16xf32>
        %swap3A_117 = vector.shape_cast %mul3A_111 : vector<16xf32> to vector<1x1x16xf32>
        tpu.vector_store %arg7[%swap3A_112, %swap3A_113, %swap3A_114], %swap3A_117 {strides = array<i32>} : memref<2x128x64xf32, #tpu.memory_space<vmem>>, vector<1x1x16xf32>,
        %mul3A_118 = arith.constant 4 : i32
        %mul3A_119 = arith.muli %scan3A_98, %mul3A_118 : i32
        %add3A_120 = arith.constant 0 : i32
        %add3A_121 = arith.addi %mul3A_119, %add3A_120 : i32
        %get3A_122 = arith.constant 0 : i32
        %get3A_123 = arith.index_cast %get3A_122 : i32 to index
        %get3A_124 = arith.index_cast %add3A_121 : i32 to index
        %get3A_125 = arith.constant 16 : index
        %get3A_126 = tpu.vector_load %arg7[%get3A_123, %get3A_124, %get3A_125] {strides = array<i32>} : memref<2x128x64xf32, #tpu.memory_space<vmem>>, vector<1x1x16xf32>,
        %get3A_127 = vector.shape_cast %get3A_126 : vector<1x1x16xf32> to vector<16xf32>
        %mul3A_128 = vector.broadcast %squeeze3A : f32 to vector<16xf32>
        %mul3A_129 = arith.mulf %get3A_127, %mul3A_128 : vector<16xf32>
        %swap3A_130 = arith.constant 0 : i32
        %swap3A_131 = arith.index_cast %swap3A_130 : i32 to index
        %swap3A_132 = arith.index_cast %add3A_121 : i32 to index
        %swap3A_133 = arith.constant 16 : index
        %swap3A_134 = tpu.vector_load %arg7[%swap3A_131, %swap3A_132, %swap3A_133] {strides = array<i32>} : memref<2x128x64xf32, #tpu.memory_space<vmem>>, vector<1x1x16xf32>,
        %swap3A_135 = vector.shape_cast %swap3A_134 : vector<1x1x16xf32> to vector<16xf32>
        %swap3A_136 = vector.shape_cast %mul3A_129 : vector<16xf32> to vector<1x1x16xf32>
        tpu.vector_store %arg7[%swap3A_131, %swap3A_132, %swap3A_133], %swap3A_136 {strides = array<i32>} : memref<2x128x64xf32, #tpu.memory_space<vmem>>, vector<1x1x16xf32>,
        %mul3A_137 = arith.constant 4 : i32
        %mul3A_138 = arith.muli %scan3A_98, %mul3A_137 : i32
        %add3A_139 = arith.constant 0 : i32
        %add3A_140 = arith.addi %mul3A_138, %add3A_139 : i32
        %get3A_141 = arith.constant 0 : i32
        %get3A_142 = arith.index_cast %get3A_141 : i32 to index
        %get3A_143 = arith.index_cast %add3A_140 : i32 to index
        %get3A_144 = arith.constant 32 : index
        %get3A_145 = tpu.vector_load %arg7[%get3A_142, %get3A_143, %get3A_144] {strides = array<i32>} : memref<2x128x64xf32, #tpu.memory_space<vmem>>, vector<1x1x16xf32>,
        %get3A_146 = vector.shape_cast %get3A_145 : vector<1x1x16xf32> to vector<16xf32>
        %mul3A_147 = vector.broadcast %squeeze3A : f32 to vector<16xf32>
        %mul3A_148 = arith.mulf %get3A_146, %mul3A_147 : vector<16xf32>
        %swap3A_149 = arith.constant 0 : i32
        %swap3A_150 = arith.index_cast %swap3A_149 : i32 to index
        %swap3A_151 = arith.index_cast %add3A_140 : i32 to index
        %swap3A_152 = arith.constant 32 : index
        %swap3A_153 = tpu.vector_load %arg7[%swap3A_150, %swap3A_151, %swap3A_152] {strides = array<i32>} : memref<2x128x64xf32, #tpu.memory_space<vmem>>, vector<1x1x16xf32>,
        %swap3A_154 = vector.shape_cast %swap3A_153 : vector<1x1x16xf32> to vector<16xf32>
        %swap3A_155 = vector.shape_cast %mul3A_148 : vector<16xf32> to vector<1x1x16xf32>
        tpu.vector_store %arg7[%swap3A_150, %swap3A_151, %swap3A_152], %swap3A_155 {strides = array<i32>} : memref<2x128x64xf32, #tpu.memory_space<vmem>>, vector<1x1x16xf32>,
        %mul3A_156 = arith.constant 4 : i32
        %mul3A_157 = arith.muli %scan3A_98, %mul3A_156 : i32
        %add3A_158 = arith.constant 0 : i32
        %add3A_159 = arith.addi %mul3A_157, %add3A_158 : i32
        %get3A_160 = arith.constant 0 : i32
        %get3A_161 = arith.index_cast %get3A_160 : i32 to index
        %get3A_162 = arith.index_cast %add3A_159 : i32 to index
        %get3A_163 = arith.constant 48 : index
        %get3A_164 = tpu.vector_load %arg7[%get3A_161, %get3A_162, %get3A_163] {strides = array<i32>} : memref<2x128x64xf32, #tpu.memory_space<vmem>>, vector<1x1x16xf32>,
        %get3A_165 = vector.shape_cast %get3A_164 : vector<1x1x16xf32> to vector<16xf32>
        %mul3A_166 = vector.broadcast %squeeze3A : f32 to vector<16xf32>
        %mul3A_167 = arith.mulf %get3A_165, %mul3A_166 : vector<16xf32>
        %swap3A_168 = arith.constant 0 : i32
        %swap3A_169 = arith.index_cast %swap3A_168 : i32 to index
        %swap3A_170 = arith.index_cast %add3A_159 : i32 to index
        %swap3A_171 = arith.constant 48 : index
        %swap3A_172 = tpu.vector_load %arg7[%swap3A_169, %swap3A_170, %swap3A_171] {strides = array<i32>} : memref<2x128x64xf32, #tpu.memory_space<vmem>>, vector<1x1x16xf32>,
        %swap3A_173 = vector.shape_cast %swap3A_172 : vector<1x1x16xf32> to vector<16xf32>
        %swap3A_174 = vector.shape_cast %mul3A_167 : vector<16xf32> to vector<1x1x16xf32>
        tpu.vector_store %arg7[%swap3A_169, %swap3A_170, %swap3A_171], %swap3A_174 {strides = array<i32>} : memref<2x128x64xf32, #tpu.memory_space<vmem>>, vector<1x1x16xf32>,
        %mul3A_175 = arith.constant 4 : i32
        %mul3A_176 = arith.muli %scan3A_98, %mul3A_175 : i32
        %add3A_177 = arith.constant 1 : i32
        %add3A_178 = arith.addi %mul3A_176, %add3A_177 : i32
        %get3A_179 = arith.constant 0 : i32
        %get3A_180 = arith.index_cast %get3A_179 : i32 to index
        %get3A_181 = arith.index_cast %add3A_178 : i32 to index
        %get3A_182 = arith.constant 0 : index
        %get3A_183 = tpu.vector_load %arg7[%get3A_180, %get3A_181, %get3A_182] {strides = array<i32>} : memref<2x128x64xf32, #tpu.memory_space<vmem>>, vector<1x1x16xf32>,
        %get3A_184 = vector.shape_cast %get3A_183 : vector<1x1x16xf32> to vector<16xf32>
        %mul3A_185 = vector.broadcast %squeeze3A : f32 to vector<16xf32>
        %mul3A_186 = arith.mulf %get3A_184, %mul3A_185 : vector<16xf32>
        %swap3A_187 = arith.constant 0 : i32
        %swap3A_188 = arith.index_cast %swap3A_187 : i32 to index
        %swap3A_189 = arith.index_cast %add3A_178 : i32 to index
        %swap3A_190 = arith.constant 0 : index
        %swap3A_191 = tpu.vector_load %arg7[%swap3A_188, %swap3A_189, %swap3A_190] {strides = array<i32>} : memref<2x128x64xf32, #tpu.memory_space<vmem>>, vector<1x1x16xf32>,
        %swap3A_192 = vector.shape_cast %swap3A_191 : vector<1x1x16xf32> to vector<16xf32>
        %swap3A_193 = vector.shape_cast %mul3A_186 : vector<16xf32> to vector<1x1x16xf32>
        tpu.vector_store %arg7[%swap3A_188, %swap3A_189, %swap3A_190], %swap3A_193 {strides = array<i32>} : memref<2x128x64xf32, #tpu.memory_space<vmem>>, vector<1x1x16xf32>,
        %mul3A_194 = arith.constant 4 : i32
        %mul3A_195 = arith.muli %scan3A_98, %mul3A_194 : i32
        %add3A_196 = arith.constant 1 : i32
        %add3A_197 = arith.addi %mul3A_195, %add3A_196 : i32
        %get3A_198 = arith.constant 0 : i32
        %get3A_199 = arith.index_cast %get3A_198 : i32 to index
        %get3A_200 = arith.index_cast %add3A_197 : i32 to index
        %get3A_201 = arith.constant 16 : index
        %get3A_202 = tpu.vector_load %arg7[%get3A_199, %get3A_200, %get3A_201] {strides = array<i32>} : memref<2x128x64xf32, #tpu.memory_space<vmem>>, vector<1x1x16xf32>,
        %get3A_203 = vector.shape_cast %get3A_202 : vector<1x1x16xf32> to vector<16xf32>
        %mul3A_204 = vector.broadcast %squeeze3A : f32 to vector<16xf32>
        %mul3A_205 = arith.mulf %get3A_203, %mul3A_204 : vector<16xf32>
        %swap3A_206 = arith.constant 0 : i32
        %swap3A_207 = arith.index_cast %swap3A_206 : i32 to index
        %swap3A_208 = arith.index_cast %add3A_197 : i32 to index
        %swap3A_209 = arith.constant 16 : index
        %swap3A_210 = tpu.vector_load %arg7[%swap3A_207, %swap3A_208, %swap3A_209] {strides = array<i32>} : memref<2x128x64xf32, #tpu.memory_space<vmem>>, vector<1x1x16xf32>,
        %swap3A_211 = vector.shape_cast %swap3A_210 : vector<1x1x16xf32> to vector<16xf32>
        %swap3A_212 = vector.shape_cast %mul3A_205 : vector<16xf32> to vector<1x1x16xf32>
        tpu.vector_store %arg7[%swap3A_207, %swap3A_208, %swap3A_209], %swap3A_212 {strides = array<i32>} : memref<2x128x64xf32, #tpu.memory_space<vmem>>, vector<1x1x16xf32>,
        %mul3A_213 = arith.constant 4 : i32
        %mul3A_214 = arith.muli %scan3A_98, %mul3A_213 : i32
        %add3A_215 = arith.constant 1 : i32
        %add3A_216 = arith.addi %mul3A_214, %add3A_215 : i32
        %get3A_217 = arith.constant 0 : i32
        %get3A_218 = arith.index_cast %get3A_217 : i32 to index
        %get3A_219 = arith.index_cast %add3A_216 : i32 to index
        %get3A_220 = arith.constant 32 : index
        %get3A_221 = tpu.vector_load %arg7[%get3A_218, %get3A_219, %get3A_220] {strides = array<i32>} : memref<2x128x64xf32, #tpu.memory_space<vmem>>, vector<1x1x16xf32>,
        %get3A_222 = vector.shape_cast %get3A_221 : vector<1x1x16xf32> to vector<16xf32>
        %mul3A_223 = vector.broadcast %squeeze3A : f32 to vector<16xf32>
        %mul3A_224 = arith.mulf %get3A_222, %mul3A_223 : vector<16xf32>
        %swap3A_225 = arith.constant 0 : i32
        %swap3A_226 = arith.index_cast %swap3A_225 : i32 to index
        %swap3A_227 = arith.index_cast %add3A_216 : i32 to index
        %swap3A_228 = arith.constant 32 : index
        %swap3A_229 = tpu.vector_load %arg7[%swap3A_226, %swap3A_227, %swap3A_228] {strides = array<i32>} : memref<2x128x64xf32, #tpu.memory_space<vmem>>, vector<1x1x16xf32>,
        %swap3A_230 = vector.shape_cast %swap3A_229 : vector<1x1x16xf32> to vector<16xf32>
        %swap3A_231 = vector.shape_cast %mul3A_224 : vector<16xf32> to vector<1x1x16xf32>
        tpu.vector_store %arg7[%swap3A_226, %swap3A_227, %swap3A_228], %swap3A_231 {strides = array<i32>} : memref<2x128x64xf32, #tpu.memory_space<vmem>>, vector<1x1x16xf32>,
        %mul3A_232 = arith.constant 4 : i32
        %mul3A_233 = arith.muli %scan3A_98, %mul3A_232 : i32
        %add3A_234 = arith.constant 1 : i32
        %add3A_235 = arith.addi %mul3A_233, %add3A_234 : i32
        %get3A_236 = arith.constant 0 : i32
        %get3A_237 = arith.index_cast %get3A_236 : i32 to index
        %get3A_238 = arith.index_cast %add3A_235 : i32 to index
        %get3A_239 = arith.constant 48 : index
        %get3A_240 = tpu.vector_load %arg7[%get3A_237, %get3A_238, %get3A_239] {strides = array<i32>} : memref<2x128x64xf32, #tpu.memory_space<vmem>>, vector<1x1x16xf32>,
        %get3A_241 = vector.shape_cast %get3A_240 : vector<1x1x16xf32> to vector<16xf32>
        %mul3A_242 = vector.broadcast %squeeze3A : f32 to vector<16xf32>
        %mul3A_243 = arith.mulf %get3A_241, %mul3A_242 : vector<16xf32>
        %swap3A_244 = arith.constant 0 : i32
        %swap3A_245 = arith.index_cast %swap3A_244 : i32 to index
        %swap3A_246 = arith.index_cast %add3A_235 : i32 to index
        %swap3A_247 = arith.constant 48 : index
        %swap3A_248 = tpu.vector_load %arg7[%swap3A_245, %swap3A_246, %swap3A_247] {strides = array<i32>} : memref<2x128x64xf32, #tpu.memory_space<vmem>>, vector<1x1x16xf32>,
        %swap3A_249 = vector.shape_cast %swap3A_248 : vector<1x1x16xf32> to vector<16xf32>
        %swap3A_250 = vector.shape_cast %mul3A_243 : vector<16xf32> to vector<1x1x16xf32>
        tpu.vector_store %arg7[%swap3A_245, %swap3A_246, %swap3A_247], %swap3A_250 {strides = array<i32>} : memref<2x128x64xf32, #tpu.memory_space<vmem>>, vector<1x1x16xf32>,
        %mul3A_251 = arith.constant 4 : i32
        %mul3A_252 = arith.muli %scan3A_98, %mul3A_251 : i32
        %add3A_253 = arith.constant 2 : i32
        %add3A_254 = arith.addi %mul3A_252, %add3A_253 : i32
        %get3A_255 = arith.constant 0 : i32
        %get3A_256 = arith.index_cast %get3A_255 : i32 to index
        %get3A_257 = arith.index_cast %add3A_254 : i32 to index
        %get3A_258 = arith.constant 0 : index
        %get3A_259 = tpu.vector_load %arg7[%get3A_256, %get3A_257, %get3A_258] {strides = array<i32>} : memref<2x128x64xf32, #tpu.memory_space<vmem>>, vector<1x1x16xf32>,
        %get3A_260 = vector.shape_cast %get3A_259 : vector<1x1x16xf32> to vector<16xf32>
        %mul3A_261 = vector.broadcast %squeeze3A : f32 to vector<16xf32>
        %mul3A_262 = arith.mulf %get3A_260, %mul3A_261 : vector<16xf32>
        %swap3A_263 = arith.constant 0 : i32
        %swap3A_264 = arith.index_cast %swap3A_263 : i32 to index
        %swap3A_265 = arith.index_cast %add3A_254 : i32 to index
        %swap3A_266 = arith.constant 0 : index
        %swap3A_267 = tpu.vector_load %arg7[%swap3A_264, %swap3A_265, %swap3A_266] {strides = array<i32>} : memref<2x128x64xf32, #tpu.memory_space<vmem>>, vector<1x1x16xf32>,
        %swap3A_268 = vector.shape_cast %swap3A_267 : vector<1x1x16xf32> to vector<16xf32>
        %swap3A_269 = vector.shape_cast %mul3A_262 : vector<16xf32> to vector<1x1x16xf32>
        tpu.vector_store %arg7[%swap3A_264, %swap3A_265, %swap3A_266], %swap3A_269 {strides = array<i32>} : memref<2x128x64xf32, #tpu.memory_space<vmem>>, vector<1x1x16xf32>,
        %mul3A_270 = arith.constant 4 : i32
        %mul3A_271 = arith.muli %scan3A_98, %mul3A_270 : i32
        %add3A_272 = arith.constant 2 : i32
        %add3A_273 = arith.addi %mul3A_271, %add3A_272 : i32
        %get3A_274 = arith.constant 0 : i32
        %get3A_275 = arith.index_cast %get3A_274 : i32 to index
        %get3A_276 = arith.index_cast %add3A_273 : i32 to index
        %get3A_277 = arith.constant 16 : index
        %get3A_278 = tpu.vector_load %arg7[%get3A_275, %get3A_276, %get3A_277] {strides = array<i32>} : memref<2x128x64xf32, #tpu.memory_space<vmem>>, vector<1x1x16xf32>,
        %get3A_279 = vector.shape_cast %get3A_278 : vector<1x1x16xf32> to vector<16xf32>
        %mul3A_280 = vector.broadcast %squeeze3A : f32 to vector<16xf32>
        %mul3A_281 = arith.mulf %get3A_279, %mul3A_280 : vector<16xf32>
        %swap3A_282 = arith.constant 0 : i32
        %swap3A_283 = arith.index_cast %swap3A_282 : i32 to index
        %swap3A_284 = arith.index_cast %add3A_273 : i32 to index
        %swap3A_285 = arith.constant 16 : index
        %swap3A_286 = tpu.vector_load %arg7[%swap3A_283, %swap3A_284, %swap3A_285] {strides = array<i32>} : memref<2x128x64xf32, #tpu.memory_space<vmem>>, vector<1x1x16xf32>,
        %swap3A_287 = vector.shape_cast %swap3A_286 : vector<1x1x16xf32> to vector<16xf32>
        %swap3A_288 = vector.shape_cast %mul3A_281 : vector<16xf32> to vector<1x1x16xf32>
        tpu.vector_store %arg7[%swap3A_283, %swap3A_284, %swap3A_285], %swap3A_288 {strides = array<i32>} : memref<2x128x64xf32, #tpu.memory_space<vmem>>, vector<1x1x16xf32>,
        %mul3A_289 = arith.constant 4 : i32
        %mul3A_290 = arith.muli %scan3A_98, %mul3A_289 : i32
        %add3A_291 = arith.constant 2 : i32
        %add3A_292 = arith.addi %mul3A_290, %add3A_291 : i32
        %get3A_293 = arith.constant 0 : i32
        %get3A_294 = arith.index_cast %get3A_293 : i32 to index
        %get3A_295 = arith.index_cast %add3A_292 : i32 to index
        %get3A_296 = arith.constant 32 : index
        %get3A_297 = tpu.vector_load %arg7[%get3A_294, %get3A_295, %get3A_296] {strides = array<i32>} : memref<2x128x64xf32, #tpu.memory_space<vmem>>, vector<1x1x16xf32>,
        %get3A_298 = vector.shape_cast %get3A_297 : vector<1x1x16xf32> to vector<16xf32>
        %mul3A_299 = vector.broadcast %squeeze3A : f32 to vector<16xf32>
        %mul3A_300 = arith.mulf %get3A_298, %mul3A_299 : vector<16xf32>
        %swap3A_301 = arith.constant 0 : i32
        %swap3A_302 = arith.index_cast %swap3A_301 : i32 to index
        %swap3A_303 = arith.index_cast %add3A_292 : i32 to index
        %swap3A_304 = arith.constant 32 : index
        %swap3A_305 = tpu.vector_load %arg7[%swap3A_302, %swap3A_303, %swap3A_304] {strides = array<i32>} : memref<2x128x64xf32, #tpu.memory_space<vmem>>, vector<1x1x16xf32>,
        %swap3A_306 = vector.shape_cast %swap3A_305 : vector<1x1x16xf32> to vector<16xf32>
        %swap3A_307 = vector.shape_cast %mul3A_300 : vector<16xf32> to vector<1x1x16xf32>
        tpu.vector_store %arg7[%swap3A_302, %swap3A_303, %swap3A_304], %swap3A_307 {strides = array<i32>} : memref<2x128x64xf32, #tpu.memory_space<vmem>>, vector<1x1x16xf32>,
        %mul3A_308 = arith.constant 4 : i32
        %mul3A_309 = arith.muli %scan3A_98, %mul3A_308 : i32
        %add3A_310 = arith.constant 2 : i32
        %add3A_311 = arith.addi %mul3A_309, %add3A_310 : i32
        %get3A_312 = arith.constant 0 : i32
        %get3A_313 = arith.index_cast %get3A_312 : i32 to index
        %get3A_314 = arith.index_cast %add3A_311 : i32 to index
        %get3A_315 = arith.constant 48 : index
        %get3A_316 = tpu.vector_load %arg7[%get3A_313, %get3A_314, %get3A_315] {strides = array<i32>} : memref<2x128x64xf32, #tpu.memory_space<vmem>>, vector<1x1x16xf32>,
        %get3A_317 = vector.shape_cast %get3A_316 : vector<1x1x16xf32> to vector<16xf32>
        %mul3A_318 = vector.broadcast %squeeze3A : f32 to vector<16xf32>
        %mul3A_319 = arith.mulf %get3A_317, %mul3A_318 : vector<16xf32>
        %swap3A_320 = arith.constant 0 : i32
        %swap3A_321 = arith.index_cast %swap3A_320 : i32 to index
        %swap3A_322 = arith.index_cast %add3A_311 : i32 to index
        %swap3A_323 = arith.constant 48 : index
        %swap3A_324 = tpu.vector_load %arg7[%swap3A_321, %swap3A_322, %swap3A_323] {strides = array<i32>} : memref<2x128x64xf32, #tpu.memory_space<vmem>>, vector<1x1x16xf32>,
        %swap3A_325 = vector.shape_cast %swap3A_324 : vector<1x1x16xf32> to vector<16xf32>
        %swap3A_326 = vector.shape_cast %mul3A_319 : vector<16xf32> to vector<1x1x16xf32>
        tpu.vector_store %arg7[%swap3A_321, %swap3A_322, %swap3A_323], %swap3A_326 {strides = array<i32>} : memref<2x128x64xf32, #tpu.memory_space<vmem>>, vector<1x1x16xf32>,
        %mul3A_327 = arith.constant 4 : i32
        %mul3A_328 = arith.muli %scan3A_98, %mul3A_327 : i32
        %add3A_329 = arith.constant 3 : i32
        %add3A_330 = arith.addi %mul3A_328, %add3A_329 : i32
        %get3A_331 = arith.constant 0 : i32
        %get3A_332 = arith.index_cast %get3A_331 : i32 to index
        %get3A_333 = arith.index_cast %add3A_330 : i32 to index
        %get3A_334 = arith.constant 0 : index
        %get3A_335 = tpu.vector_load %arg7[%get3A_332, %get3A_333, %get3A_334] {strides = array<i32>} : memref<2x128x64xf32, #tpu.memory_space<vmem>>, vector<1x1x16xf32>,
        %get3A_336 = vector.shape_cast %get3A_335 : vector<1x1x16xf32> to vector<16xf32>
        %mul3A_337 = vector.broadcast %squeeze3A : f32 to vector<16xf32>
        %mul3A_338 = arith.mulf %get3A_336, %mul3A_337 : vector<16xf32>
        %swap3A_339 = arith.constant 0 : i32
        %swap3A_340 = arith.index_cast %swap3A_339 : i32 to index
        %swap3A_341 = arith.index_cast %add3A_330 : i32 to index
        %swap3A_342 = arith.constant 0 : index
        %swap3A_343 = tpu.vector_load %arg7[%swap3A_340, %swap3A_341, %swap3A_342] {strides = array<i32>} : memref<2x128x64xf32, #tpu.memory_space<vmem>>, vector<1x1x16xf32>,
        %swap3A_344 = vector.shape_cast %swap3A_343 : vector<1x1x16xf32> to vector<16xf32>
        %swap3A_345 = vector.shape_cast %mul3A_338 : vector<16xf32> to vector<1x1x16xf32>
        tpu.vector_store %arg7[%swap3A_340, %swap3A_341, %swap3A_342], %swap3A_345 {strides = array<i32>} : memref<2x128x64xf32, #tpu.memory_space<vmem>>, vector<1x1x16xf32>,
        %mul3A_346 = arith.constant 4 : i32
        %mul3A_347 = arith.muli %scan3A_98, %mul3A_346 : i32
        %add3A_348 = arith.constant 3 : i32
        %add3A_349 = arith.addi %mul3A_347, %add3A_348 : i32
        %get3A_350 = arith.constant 0 : i32
        %get3A_351 = arith.index_cast %get3A_350 : i32 to index
        %get3A_352 = arith.index_cast %add3A_349 : i32 to index
        %get3A_353 = arith.constant 16 : index
        %get3A_354 = tpu.vector_load %arg7[%get3A_351, %get3A_352, %get3A_353] {strides = array<i32>} : memref<2x128x64xf32, #tpu.memory_space<vmem>>, vector<1x1x16xf32>,
        %get3A_355 = vector.shape_cast %get3A_354 : vector<1x1x16xf32> to vector<16xf32>
        %mul3A_356 = vector.broadcast %squeeze3A : f32 to vector<16xf32>
        %mul3A_357 = arith.mulf %get3A_355, %mul3A_356 : vector<16xf32>
        %swap3A_358 = arith.constant 0 : i32
        %swap3A_359 = arith.index_cast %swap3A_358 : i32 to index
        %swap3A_360 = arith.index_cast %add3A_349 : i32 to index
        %swap3A_361 = arith.constant 16 : index
        %swap3A_362 = tpu.vector_load %arg7[%swap3A_359, %swap3A_360, %swap3A_361] {strides = array<i32>} : memref<2x128x64xf32, #tpu.memory_space<vmem>>, vector<1x1x16xf32>,
        %swap3A_363 = vector.shape_cast %swap3A_362 : vector<1x1x16xf32> to vector<16xf32>
        %swap3A_364 = vector.shape_cast %mul3A_357 : vector<16xf32> to vector<1x1x16xf32>
        tpu.vector_store %arg7[%swap3A_359, %swap3A_360, %swap3A_361], %swap3A_364 {strides = array<i32>} : memref<2x128x64xf32, #tpu.memory_space<vmem>>, vector<1x1x16xf32>,
        %mul3A_365 = arith.constant 4 : i32
        %mul3A_366 = arith.muli %scan3A_98, %mul3A_365 : i32
        %add3A_367 = arith.constant 3 : i32
        %add3A_368 = arith.addi %mul3A_366, %add3A_367 : i32
        %get3A_369 = arith.constant 0 : i32
        %get3A_370 = arith.index_cast %get3A_369 : i32 to index
        %get3A_371 = arith.index_cast %add3A_368 : i32 to index
        %get3A_372 = arith.constant 32 : index
        %get3A_373 = tpu.vector_load %arg7[%get3A_370, %get3A_371, %get3A_372] {strides = array<i32>} : memref<2x128x64xf32, #tpu.memory_space<vmem>>, vector<1x1x16xf32>,
        %get3A_374 = vector.shape_cast %get3A_373 : vector<1x1x16xf32> to vector<16xf32>
        %mul3A_375 = vector.broadcast %squeeze3A : f32 to vector<16xf32>
        %mul3A_376 = arith.mulf %get3A_374, %mul3A_375 : vector<16xf32>
        %swap3A_377 = arith.constant 0 : i32
        %swap3A_378 = arith.index_cast %swap3A_377 : i32 to index
        %swap3A_379 = arith.index_cast %add3A_368 : i32 to index
        %swap3A_380 = arith.constant 32 : index
        %swap3A_381 = tpu.vector_load %arg7[%swap3A_378, %swap3A_379, %swap3A_380] {strides = array<i32>} : memref<2x128x64xf32, #tpu.memory_space<vmem>>, vector<1x1x16xf32>,
        %swap3A_382 = vector.shape_cast %swap3A_381 : vector<1x1x16xf32> to vector<16xf32>
        %swap3A_383 = vector.shape_cast %mul3A_376 : vector<16xf32> to vector<1x1x16xf32>
        tpu.vector_store %arg7[%swap3A_378, %swap3A_379, %swap3A_380], %swap3A_383 {strides = array<i32>} : memref<2x128x64xf32, #tpu.memory_space<vmem>>, vector<1x1x16xf32>,
        %mul3A_384 = arith.constant 4 : i32
        %mul3A_385 = arith.muli %scan3A_98, %mul3A_384 : i32
        %add3A_386 = arith.constant 3 : i32
        %add3A_387 = arith.addi %mul3A_385, %add3A_386 : i32
        %get3A_388 = arith.constant 0 : i32
        %get3A_389 = arith.index_cast %get3A_388 : i32 to index
        %get3A_390 = arith.index_cast %add3A_387 : i32 to index
        %get3A_391 = arith.constant 48 : index
        %get3A_392 = tpu.vector_load %arg7[%get3A_389, %get3A_390, %get3A_391] {strides = array<i32>} : memref<2x128x64xf32, #tpu.memory_space<vmem>>, vector<1x1x16xf32>,
        %get3A_393 = vector.shape_cast %get3A_392 : vector<1x1x16xf32> to vector<16xf32>
        %mul3A_394 = vector.broadcast %squeeze3A : f32 to vector<16xf32>
        %mul3A_395 = arith.mulf %get3A_393, %mul3A_394 : vector<16xf32>
        %swap3A_396 = arith.constant 0 : i32
        %swap3A_397 = arith.index_cast %swap3A_396 : i32 to index
        %swap3A_398 = arith.index_cast %add3A_387 : i32 to index
        %swap3A_399 = arith.constant 48 : index
        %swap3A_400 = tpu.vector_load %arg7[%swap3A_397, %swap3A_398, %swap3A_399] {strides = array<i32>} : memref<2x128x64xf32, #tpu.memory_space<vmem>>, vector<1x1x16xf32>,
        %swap3A_401 = vector.shape_cast %swap3A_400 : vector<1x1x16xf32> to vector<16xf32>
        %swap3A_402 = vector.shape_cast %mul3A_395 : vector<16xf32> to vector<1x1x16xf32>
        tpu.vector_store %arg7[%swap3A_397, %swap3A_398, %swap3A_399], %swap3A_402 {strides = array<i32>} : memref<2x128x64xf32, #tpu.memory_space<vmem>>, vector<1x1x16xf32>,
        %scan3A_403 = arith.constant 0 : i32
        scf.yield %scan3A_403 : i32
      }
      %scan3A_56 = arith.constant 32 : i32
      %add3A_57 = arith.addi %mul3A_4, %add3A_39 : i32
      %mul3A_58 = arith.constant 128 : i32
      %mul3A_59 = arith.muli %add3A_57, %mul3A_58 : i32
      %run_scoped3A = arith.constant 0 : i32
      "tpu.region"() ({
        %run_scoped3A_98 = tpu.sem_alloc : memref<!tpu.dma_semaphore, #tpu.memory_space<semaphore_mem>>
        %dma_start3A_99 = arith.constant 0 : i32
        %dma_start3A_100 = arith.constant 0 : i32
        %dma_start3A_101 = tpu.memref_slice %arg7[%run_scoped3A, %dma_start3A_99, %dma_start3A_100] : memref<2x128x64xf32, #tpu.memory_space<vmem>> -> memref<1x128x64xf32, #tpu.memory_space<vmem>>
        %dma_start3A_102 = tpu.memref_squeeze %dma_start3A_101 : memref<1x128x64xf32, #tpu.memory_space<vmem>> -> memref<128x64xf32, #tpu.memory_space<vmem>>
        %dma_start3A_103 = arith.constant 0 : i32
        %dma_start3A_104 = tpu.memref_slice %arg5[%mul3A_59, %dma_start3A_103] : memref<819200x64xf32, #tpu.memory_space<hbm>> -> memref<128x64xf32, #tpu.memory_space<hbm>>
        %dma_start3A_105 = arith.constant 0 : i32
        %dma_start3A_106 = tpu.memref_slice %arg5[%mul3A_59, %dma_start3A_105] : memref<819200x64xf32, #tpu.memory_space<hbm>> -> memref<128x64xf32, #tpu.memory_space<hbm>>
        %dma_start3A_107 = arith.constant 0 : i32
        %dma_start3A_108 = arith.constant 0 : i32
        %dma_start3A_109 = tpu.memref_slice %arg7[%run_scoped3A, %dma_start3A_107, %dma_start3A_108] : memref<2x128x64xf32, #tpu.memory_space<vmem>> -> memref<1x128x64xf32, #tpu.memory_space<vmem>>
        %dma_start3A_110 = tpu.memref_squeeze %dma_start3A_109 : memref<1x128x64xf32, #tpu.memory_space<vmem>> -> memref<128x64xf32, #tpu.memory_space<vmem>>
        tpu.enqueue_dma source(%dma_start3A_110 : memref<128x64xf32, #tpu.memory_space<vmem>>) target(%dma_start3A_106 : memref<128x64xf32, #tpu.memory_space<hbm>>) target_semaphore(%run_scoped3A_98 : memref<!tpu.dma_semaphore, #tpu.memory_space<semaphore_mem>>)
        %dma_wait3A_111 = arith.constant 0 : i32
        %dma_wait3A_112 = arith.constant 0 : i32
        %dma_wait3A_113 = tpu.memref_slice %arg7[%run_scoped3A, %dma_wait3A_111, %dma_wait3A_112] : memref<2x128x64xf32, #tpu.memory_space<vmem>> -> memref<1x128x64xf32, #tpu.memory_space<vmem>>
        %dma_wait3A_114 = tpu.memref_squeeze %dma_wait3A_113 : memref<1x128x64xf32, #tpu.memory_space<vmem>> -> memref<128x64xf32, #tpu.memory_space<vmem>>
        %dma_wait3A_115 = arith.constant 0 : i32
        %dma_wait3A_116 = tpu.memref_slice %arg5[%mul3A_59, %dma_wait3A_115] : memref<819200x64xf32, #tpu.memory_space<hbm>> -> memref<128x64xf32, #tpu.memory_space<hbm>>
        %dma_wait3A_117 = arith.constant 0 : i32
        %dma_wait3A_118 = tpu.memref_slice %arg5[%mul3A_59, %dma_wait3A_117] : memref<819200x64xf32, #tpu.memory_space<hbm>> -> memref<128x64xf32, #tpu.memory_space<hbm>>
        %dma_wait3A_119 = arith.constant 0 : i32
        %dma_wait3A_120 = arith.constant 0 : i32
        %dma_wait3A_121 = tpu.memref_slice %arg7[%run_scoped3A, %dma_wait3A_119, %dma_wait3A_120] : memref<2x128x64xf32, #tpu.memory_space<vmem>> -> memref<1x128x64xf32, #tpu.memory_space<vmem>>
        %dma_wait3A_122 = tpu.memref_squeeze %dma_wait3A_121 : memref<1x128x64xf32, #tpu.memory_space<vmem>> -> memref<128x64xf32, #tpu.memory_space<vmem>>
        tpu.wait_dma2 semaphore(%run_scoped3A_98 : memref<!tpu.dma_semaphore, #tpu.memory_space<semaphore_mem>>) src(%dma_wait3A_122 : memref<128x64xf32, #tpu.memory_space<vmem>>) dst(%dma_wait3A_118 : memref<128x64xf32, #tpu.memory_space<hbm>>)
        tpu.yield
      }) : () -> ()
      %add3A_60 = arith.constant 2 : i32
      %add3A_61 = arith.addi %add3A_39, %add3A_60 : i32
      %lt3A = arith.constant 200 : i32
      %lt3A_62 = arith.cmpi slt, %add3A_61, %lt3A : i32
      %convert_element_type3A = arith.extui %lt3A_62 : i1 to i32
      %cond3A = arith.constant 0 : i32
      %cond3A_63 = arith.cmpi ne, %convert_element_type3A, %cond3A : i32
      scf.if %cond3A_63 {
        %add3A_98 = arith.constant 2 : i32
        %add3A_99 = arith.addi %add3A_39, %add3A_98 : i32
        %dma_start3A_100 = arith.constant 0 : i32
        %dma_start3A_101 = arith.constant 0 : i32
        %dma_start3A_102 = arith.constant 0 : i32
        %dma_start3A_103 = tpu.memref_slice %arg7[%dma_start3A_100, %dma_start3A_101, %dma_start3A_102] : memref<2x128x64xf32, #tpu.memory_space<vmem>> -> memref<1x128x64xf32, #tpu.memory_space<vmem>>
        %dma_start3A_104 = tpu.memref_squeeze %dma_start3A_103 : memref<1x128x64xf32, #tpu.memory_space<vmem>> -> memref<128x64xf32, #tpu.memory_space<vmem>>
        %dma_start3A_105 = arith.constant 0 : i32
        %dma_start3A_106 = tpu.memref_slice %arg6[%add3A_99, %dma_start3A_105] : memref<200x128xi32, #tpu.memory_space<vmem>> -> memref<1x128xi32, #tpu.memory_space<vmem>>
        %dma_start3A_107 = tpu.memref_squeeze %dma_start3A_106 : memref<1x128xi32, #tpu.memory_space<vmem>> -> memref<128xi32, #tpu.memory_space<vmem>>
        %dma_start3A_108 = arith.constant 0 : i32
        %dma_start3A_109 = arith.constant 0 : i32
        %dma_start3A_110 = tpu.memref_slice %arg3[%dma_start3A_108, %dma_start3A_109] : memref<1000000x64xf32, #tpu.memory_space<hbm>> -> memref<1000000x64xf32, #tpu.memory_space<hbm>>
        tpu.enqueue_indirect_dma source(%dma_start3A_110 : memref<1000000x64xf32, #tpu.memory_space<hbm>>) target(%dma_start3A_104 : memref<128x64xf32, #tpu.memory_space<vmem>>) offsets(%dma_start3A_107 : memref<128xi32, #tpu.memory_space<vmem>>) semaphore(%arg8 : memref<!tpu.dma_semaphore, #tpu.memory_space<semaphore_mem>>)
      } else {
      }
      %mul3A_64 = arith.constant 2 : i32
      %mul3A_65 = arith.muli %scan3A_34, %mul3A_64 : i32
      %add3A_66 = arith.constant 1 : i32
      %add3A_67 = arith.addi %mul3A_65, %add3A_66 : i32
      %dma_wait3A_68 = arith.constant 1 : i32
      %dma_wait3A_69 = arith.constant 0 : i32
      %dma_wait3A_70 = arith.constant 0 : i32
      %dma_wait3A_71 = tpu.memref_slice %arg7[%dma_wait3A_68, %dma_wait3A_69, %dma_wait3A_70] : memref<2x128x64xf32, #tpu.memory_space<vmem>> -> memref<1x128x64xf32, #tpu.memory_space<vmem>>
      %dma_wait3A_72 = tpu.memref_squeeze %dma_wait3A_71 : memref<1x128x64xf32, #tpu.memory_space<vmem>> -> memref<128x64xf32, #tpu.memory_space<vmem>>
      %dma_wait3A_73 = arith.constant 0 : i32
      %dma_wait3A_74 = tpu.memref_slice %arg6[%add3A_67, %dma_wait3A_73] : memref<200x128xi32, #tpu.memory_space<vmem>> -> memref<1x128xi32, #tpu.memory_space<vmem>>
      %dma_wait3A_75 = tpu.memref_squeeze %dma_wait3A_74 : memref<1x128xi32, #tpu.memory_space<vmem>> -> memref<128xi32, #tpu.memory_space<vmem>>
      %dma_wait3A_76 = arith.constant 0 : i32
      %dma_wait3A_77 = arith.constant 0 : i32
      %dma_wait3A_78 = tpu.memref_slice %arg3[%dma_wait3A_76, %dma_wait3A_77] : memref<1000000x64xf32, #tpu.memory_space<hbm>> -> memref<1000000x64xf32, #tpu.memory_space<hbm>>
      tpu.wait_indirect_dma semaphore(%arg9 : memref<!tpu.dma_semaphore, #tpu.memory_space<semaphore_mem>>) src(%dma_wait3A_78 : memref<1000000x64xf32, #tpu.memory_space<hbm>>) dst(%dma_wait3A_72 : memref<128x64xf32, #tpu.memory_space<vmem>>)
      %scan3A_79 = arith.constant 0 : i32
      %scan3A_80 = arith.constant 0 : i32
      %scan3A_81 = arith.constant 32 : i32
      %scan3A_82 = arith.addi %scan3A_80, %scan3A_81 : i32
      %scan3A_83 = arith.constant 1 : i32
      %scan3A_84 = scf.for %scan3A_98 = %scan3A_80 to %scan3A_82 step %scan3A_83 iter_args(%scan3A_99 = %scan3A_79) -> (i32)  : i32 {
        %mul3A_100 = arith.constant 4 : i32
        %mul3A_101 = arith.muli %scan3A_98, %mul3A_100 : i32
        %add3A_102 = arith.constant 0 : i32
        %add3A_103 = arith.addi %mul3A_101, %add3A_102 : i32
        %get3A_104 = arith.constant 1 : i32
        %get3A_105 = arith.index_cast %get3A_104 : i32 to index
        %get3A_106 = arith.index_cast %add3A_103 : i32 to index
        %get3A_107 = arith.constant 0 : index
        %get3A_108 = tpu.vector_load %arg7[%get3A_105, %get3A_106, %get3A_107] {strides = array<i32>} : memref<2x128x64xf32, #tpu.memory_space<vmem>>, vector<1x1x16xf32>,
        %get3A_109 = vector.shape_cast %get3A_108 : vector<1x1x16xf32> to vector<16xf32>
        %mul3A_110 = vector.broadcast %squeeze3A : f32 to vector<16xf32>
        %mul3A_111 = arith.mulf %get3A_109, %mul3A_110 : vector<16xf32>
        %swap3A = arith.constant 1 : i32
        %swap3A_112 = arith.index_cast %swap3A : i32 to index
        %swap3A_113 = arith.index_cast %add3A_103 : i32 to index
        %swap3A_114 = arith.constant 0 : index
        %swap3A_115 = tpu.vector_load %arg7[%swap3A_112, %swap3A_113, %swap3A_114] {strides = array<i32>} : memref<2x128x64xf32, #tpu.memory_space<vmem>>, vector<1x1x16xf32>,
        %swap3A_116 = vector.shape_cast %swap3A_115 : vector<1x1x16xf32> to vector<16xf32>
        %swap3A_117 = vector.shape_cast %mul3A_111 : vector<16xf32> to vector<1x1x16xf32>
        tpu.vector_store %arg7[%swap3A_112, %swap3A_113, %swap3A_114], %swap3A_117 {strides = array<i32>} : memref<2x128x64xf32, #tpu.memory_space<vmem>>, vector<1x1x16xf32>,
        %mul3A_118 = arith.constant 4 : i32
        %mul3A_119 = arith.muli %scan3A_98, %mul3A_118 : i32
        %add3A_120 = arith.constant 0 : i32
        %add3A_121 = arith.addi %mul3A_119, %add3A_120 : i32
        %get3A_122 = arith.constant 1 : i32
        %get3A_123 = arith.index_cast %get3A_122 : i32 to index
        %get3A_124 = arith.index_cast %add3A_121 : i32 to index
        %get3A_125 = arith.constant 16 : index
        %get3A_126 = tpu.vector_load %arg7[%get3A_123, %get3A_124, %get3A_125] {strides = array<i32>} : memref<2x128x64xf32, #tpu.memory_space<vmem>>, vector<1x1x16xf32>,
        %get3A_127 = vector.shape_cast %get3A_126 : vector<1x1x16xf32> to vector<16xf32>
        %mul3A_128 = vector.broadcast %squeeze3A : f32 to vector<16xf32>
        %mul3A_129 = arith.mulf %get3A_127, %mul3A_128 : vector<16xf32>
        %swap3A_130 = arith.constant 1 : i32
        %swap3A_131 = arith.index_cast %swap3A_130 : i32 to index
        %swap3A_132 = arith.index_cast %add3A_121 : i32 to index
        %swap3A_133 = arith.constant 16 : index
        %swap3A_134 = tpu.vector_load %arg7[%swap3A_131, %swap3A_132, %swap3A_133] {strides = array<i32>} : memref<2x128x64xf32, #tpu.memory_space<vmem>>, vector<1x1x16xf32>,
        %swap3A_135 = vector.shape_cast %swap3A_134 : vector<1x1x16xf32> to vector<16xf32>
        %swap3A_136 = vector.shape_cast %mul3A_129 : vector<16xf32> to vector<1x1x16xf32>
        tpu.vector_store %arg7[%swap3A_131, %swap3A_132, %swap3A_133], %swap3A_136 {strides = array<i32>} : memref<2x128x64xf32, #tpu.memory_space<vmem>>, vector<1x1x16xf32>,
        %mul3A_137 = arith.constant 4 : i32
        %mul3A_138 = arith.muli %scan3A_98, %mul3A_137 : i32
        %add3A_139 = arith.constant 0 : i32
        %add3A_140 = arith.addi %mul3A_138, %add3A_139 : i32
        %get3A_141 = arith.constant 1 : i32
        %get3A_142 = arith.index_cast %get3A_141 : i32 to index
        %get3A_143 = arith.index_cast %add3A_140 : i32 to index
        %get3A_144 = arith.constant 32 : index
        %get3A_145 = tpu.vector_load %arg7[%get3A_142, %get3A_143, %get3A_144] {strides = array<i32>} : memref<2x128x64xf32, #tpu.memory_space<vmem>>, vector<1x1x16xf32>,
        %get3A_146 = vector.shape_cast %get3A_145 : vector<1x1x16xf32> to vector<16xf32>
        %mul3A_147 = vector.broadcast %squeeze3A : f32 to vector<16xf32>
        %mul3A_148 = arith.mulf %get3A_146, %mul3A_147 : vector<16xf32>
        %swap3A_149 = arith.constant 1 : i32
        %swap3A_150 = arith.index_cast %swap3A_149 : i32 to index
        %swap3A_151 = arith.index_cast %add3A_140 : i32 to index
        %swap3A_152 = arith.constant 32 : index
        %swap3A_153 = tpu.vector_load %arg7[%swap3A_150, %swap3A_151, %swap3A_152] {strides = array<i32>} : memref<2x128x64xf32, #tpu.memory_space<vmem>>, vector<1x1x16xf32>,
        %swap3A_154 = vector.shape_cast %swap3A_153 : vector<1x1x16xf32> to vector<16xf32>
        %swap3A_155 = vector.shape_cast %mul3A_148 : vector<16xf32> to vector<1x1x16xf32>
        tpu.vector_store %arg7[%swap3A_150, %swap3A_151, %swap3A_152], %swap3A_155 {strides = array<i32>} : memref<2x128x64xf32, #tpu.memory_space<vmem>>, vector<1x1x16xf32>,
        %mul3A_156 = arith.constant 4 : i32
        %mul3A_157 = arith.muli %scan3A_98, %mul3A_156 : i32
        %add3A_158 = arith.constant 0 : i32
        %add3A_159 = arith.addi %mul3A_157, %add3A_158 : i32
        %get3A_160 = arith.constant 1 : i32
        %get3A_161 = arith.index_cast %get3A_160 : i32 to index
        %get3A_162 = arith.index_cast %add3A_159 : i32 to index
        %get3A_163 = arith.constant 48 : index
        %get3A_164 = tpu.vector_load %arg7[%get3A_161, %get3A_162, %get3A_163] {strides = array<i32>} : memref<2x128x64xf32, #tpu.memory_space<vmem>>, vector<1x1x16xf32>,
        %get3A_165 = vector.shape_cast %get3A_164 : vector<1x1x16xf32> to vector<16xf32>
        %mul3A_166 = vector.broadcast %squeeze3A : f32 to vector<16xf32>
        %mul3A_167 = arith.mulf %get3A_165, %mul3A_166 : vector<16xf32>
        %swap3A_168 = arith.constant 1 : i32
        %swap3A_169 = arith.index_cast %swap3A_168 : i32 to index
        %swap3A_170 = arith.index_cast %add3A_159 : i32 to index
        %swap3A_171 = arith.constant 48 : index
        %swap3A_172 = tpu.vector_load %arg7[%swap3A_169, %swap3A_170, %swap3A_171] {strides = array<i32>} : memref<2x128x64xf32, #tpu.memory_space<vmem>>, vector<1x1x16xf32>,
        %swap3A_173 = vector.shape_cast %swap3A_172 : vector<1x1x16xf32> to vector<16xf32>
        %swap3A_174 = vector.shape_cast %mul3A_167 : vector<16xf32> to vector<1x1x16xf32>
        tpu.vector_store %arg7[%swap3A_169, %swap3A_170, %swap3A_171], %swap3A_174 {strides = array<i32>} : memref<2x128x64xf32, #tpu.memory_space<vmem>>, vector<1x1x16xf32>,
        %mul3A_175 = arith.constant 4 : i32
        %mul3A_176 = arith.muli %scan3A_98, %mul3A_175 : i32
        %add3A_177 = arith.constant 1 : i32
        %add3A_178 = arith.addi %mul3A_176, %add3A_177 : i32
        %get3A_179 = arith.constant 1 : i32
        %get3A_180 = arith.index_cast %get3A_179 : i32 to index
        %get3A_181 = arith.index_cast %add3A_178 : i32 to index
        %get3A_182 = arith.constant 0 : index
        %get3A_183 = tpu.vector_load %arg7[%get3A_180, %get3A_181, %get3A_182] {strides = array<i32>} : memref<2x128x64xf32, #tpu.memory_space<vmem>>, vector<1x1x16xf32>,
        %get3A_184 = vector.shape_cast %get3A_183 : vector<1x1x16xf32> to vector<16xf32>
        %mul3A_185 = vector.broadcast %squeeze3A : f32 to vector<16xf32>
        %mul3A_186 = arith.mulf %get3A_184, %mul3A_185 : vector<16xf32>
        %swap3A_187 = arith.constant 1 : i32
        %swap3A_188 = arith.index_cast %swap3A_187 : i32 to index
        %swap3A_189 = arith.index_cast %add3A_178 : i32 to index
        %swap3A_190 = arith.constant 0 : index
        %swap3A_191 = tpu.vector_load %arg7[%swap3A_188, %swap3A_189, %swap3A_190] {strides = array<i32>} : memref<2x128x64xf32, #tpu.memory_space<vmem>>, vector<1x1x16xf32>,
        %swap3A_192 = vector.shape_cast %swap3A_191 : vector<1x1x16xf32> to vector<16xf32>
        %swap3A_193 = vector.shape_cast %mul3A_186 : vector<16xf32> to vector<1x1x16xf32>
        tpu.vector_store %arg7[%swap3A_188, %swap3A_189, %swap3A_190], %swap3A_193 {strides = array<i32>} : memref<2x128x64xf32, #tpu.memory_space<vmem>>, vector<1x1x16xf32>,
        %mul3A_194 = arith.constant 4 : i32
        %mul3A_195 = arith.muli %scan3A_98, %mul3A_194 : i32
        %add3A_196 = arith.constant 1 : i32
        %add3A_197 = arith.addi %mul3A_195, %add3A_196 : i32
        %get3A_198 = arith.constant 1 : i32
        %get3A_199 = arith.index_cast %get3A_198 : i32 to index
        %get3A_200 = arith.index_cast %add3A_197 : i32 to index
        %get3A_201 = arith.constant 16 : index
        %get3A_202 = tpu.vector_load %arg7[%get3A_199, %get3A_200, %get3A_201] {strides = array<i32>} : memref<2x128x64xf32, #tpu.memory_space<vmem>>, vector<1x1x16xf32>,
        %get3A_203 = vector.shape_cast %get3A_202 : vector<1x1x16xf32> to vector<16xf32>
        %mul3A_204 = vector.broadcast %squeeze3A : f32 to vector<16xf32>
        %mul3A_205 = arith.mulf %get3A_203, %mul3A_204 : vector<16xf32>
        %swap3A_206 = arith.constant 1 : i32
        %swap3A_207 = arith.index_cast %swap3A_206 : i32 to index
        %swap3A_208 = arith.index_cast %add3A_197 : i32 to index
        %swap3A_209 = arith.constant 16 : index
        %swap3A_210 = tpu.vector_load %arg7[%swap3A_207, %swap3A_208, %swap3A_209] {strides = array<i32>} : memref<2x128x64xf32, #tpu.memory_space<vmem>>, vector<1x1x16xf32>,
        %swap3A_211 = vector.shape_cast %swap3A_210 : vector<1x1x16xf32> to vector<16xf32>
        %swap3A_212 = vector.shape_cast %mul3A_205 : vector<16xf32> to vector<1x1x16xf32>
        tpu.vector_store %arg7[%swap3A_207, %swap3A_208, %swap3A_209], %swap3A_212 {strides = array<i32>} : memref<2x128x64xf32, #tpu.memory_space<vmem>>, vector<1x1x16xf32>,
        %mul3A_213 = arith.constant 4 : i32
        %mul3A_214 = arith.muli %scan3A_98, %mul3A_213 : i32
        %add3A_215 = arith.constant 1 : i32
        %add3A_216 = arith.addi %mul3A_214, %add3A_215 : i32
        %get3A_217 = arith.constant 1 : i32
        %get3A_218 = arith.index_cast %get3A_217 : i32 to index
        %get3A_219 = arith.index_cast %add3A_216 : i32 to index
        %get3A_220 = arith.constant 32 : index
        %get3A_221 = tpu.vector_load %arg7[%get3A_218, %get3A_219, %get3A_220] {strides = array<i32>} : memref<2x128x64xf32, #tpu.memory_space<vmem>>, vector<1x1x16xf32>,
        %get3A_222 = vector.shape_cast %get3A_221 : vector<1x1x16xf32> to vector<16xf32>
        %mul3A_223 = vector.broadcast %squeeze3A : f32 to vector<16xf32>
        %mul3A_224 = arith.mulf %get3A_222, %mul3A_223 : vector<16xf32>
        %swap3A_225 = arith.constant 1 : i32
        %swap3A_226 = arith.index_cast %swap3A_225 : i32 to index
        %swap3A_227 = arith.index_cast %add3A_216 : i32 to index
        %swap3A_228 = arith.constant 32 : index
        %swap3A_229 = tpu.vector_load %arg7[%swap3A_226, %swap3A_227, %swap3A_228] {strides = array<i32>} : memref<2x128x64xf32, #tpu.memory_space<vmem>>, vector<1x1x16xf32>,
        %swap3A_230 = vector.shape_cast %swap3A_229 : vector<1x1x16xf32> to vector<16xf32>
        %swap3A_231 = vector.shape_cast %mul3A_224 : vector<16xf32> to vector<1x1x16xf32>
        tpu.vector_store %arg7[%swap3A_226, %swap3A_227, %swap3A_228], %swap3A_231 {strides = array<i32>} : memref<2x128x64xf32, #tpu.memory_space<vmem>>, vector<1x1x16xf32>,
        %mul3A_232 = arith.constant 4 : i32
        %mul3A_233 = arith.muli %scan3A_98, %mul3A_232 : i32
        %add3A_234 = arith.constant 1 : i32
        %add3A_235 = arith.addi %mul3A_233, %add3A_234 : i32
        %get3A_236 = arith.constant 1 : i32
        %get3A_237 = arith.index_cast %get3A_236 : i32 to index
        %get3A_238 = arith.index_cast %add3A_235 : i32 to index
        %get3A_239 = arith.constant 48 : index
        %get3A_240 = tpu.vector_load %arg7[%get3A_237, %get3A_238, %get3A_239] {strides = array<i32>} : memref<2x128x64xf32, #tpu.memory_space<vmem>>, vector<1x1x16xf32>,
        %get3A_241 = vector.shape_cast %get3A_240 : vector<1x1x16xf32> to vector<16xf32>
        %mul3A_242 = vector.broadcast %squeeze3A : f32 to vector<16xf32>
        %mul3A_243 = arith.mulf %get3A_241, %mul3A_242 : vector<16xf32>
        %swap3A_244 = arith.constant 1 : i32
        %swap3A_245 = arith.index_cast %swap3A_244 : i32 to index
        %swap3A_246 = arith.index_cast %add3A_235 : i32 to index
        %swap3A_247 = arith.constant 48 : index
        %swap3A_248 = tpu.vector_load %arg7[%swap3A_245, %swap3A_246, %swap3A_247] {strides = array<i32>} : memref<2x128x64xf32, #tpu.memory_space<vmem>>, vector<1x1x16xf32>,
        %swap3A_249 = vector.shape_cast %swap3A_248 : vector<1x1x16xf32> to vector<16xf32>
        %swap3A_250 = vector.shape_cast %mul3A_243 : vector<16xf32> to vector<1x1x16xf32>
        tpu.vector_store %arg7[%swap3A_245, %swap3A_246, %swap3A_247], %swap3A_250 {strides = array<i32>} : memref<2x128x64xf32, #tpu.memory_space<vmem>>, vector<1x1x16xf32>,
        %mul3A_251 = arith.constant 4 : i32
        %mul3A_252 = arith.muli %scan3A_98, %mul3A_251 : i32
        %add3A_253 = arith.constant 2 : i32
        %add3A_254 = arith.addi %mul3A_252, %add3A_253 : i32
        %get3A_255 = arith.constant 1 : i32
        %get3A_256 = arith.index_cast %get3A_255 : i32 to index
        %get3A_257 = arith.index_cast %add3A_254 : i32 to index
        %get3A_258 = arith.constant 0 : index
        %get3A_259 = tpu.vector_load %arg7[%get3A_256, %get3A_257, %get3A_258] {strides = array<i32>} : memref<2x128x64xf32, #tpu.memory_space<vmem>>, vector<1x1x16xf32>,
        %get3A_260 = vector.shape_cast %get3A_259 : vector<1x1x16xf32> to vector<16xf32>
        %mul3A_261 = vector.broadcast %squeeze3A : f32 to vector<16xf32>
        %mul3A_262 = arith.mulf %get3A_260, %mul3A_261 : vector<16xf32>
        %swap3A_263 = arith.constant 1 : i32
        %swap3A_264 = arith.index_cast %swap3A_263 : i32 to index
        %swap3A_265 = arith.index_cast %add3A_254 : i32 to index
        %swap3A_266 = arith.constant 0 : index
        %swap3A_267 = tpu.vector_load %arg7[%swap3A_264, %swap3A_265, %swap3A_266] {strides = array<i32>} : memref<2x128x64xf32, #tpu.memory_space<vmem>>, vector<1x1x16xf32>,
        %swap3A_268 = vector.shape_cast %swap3A_267 : vector<1x1x16xf32> to vector<16xf32>
        %swap3A_269 = vector.shape_cast %mul3A_262 : vector<16xf32> to vector<1x1x16xf32>
        tpu.vector_store %arg7[%swap3A_264, %swap3A_265, %swap3A_266], %swap3A_269 {strides = array<i32>} : memref<2x128x64xf32, #tpu.memory_space<vmem>>, vector<1x1x16xf32>,
        %mul3A_270 = arith.constant 4 : i32
        %mul3A_271 = arith.muli %scan3A_98, %mul3A_270 : i32
        %add3A_272 = arith.constant 2 : i32
        %add3A_273 = arith.addi %mul3A_271, %add3A_272 : i32
        %get3A_274 = arith.constant 1 : i32
        %get3A_275 = arith.index_cast %get3A_274 : i32 to index
        %get3A_276 = arith.index_cast %add3A_273 : i32 to index
        %get3A_277 = arith.constant 16 : index
        %get3A_278 = tpu.vector_load %arg7[%get3A_275, %get3A_276, %get3A_277] {strides = array<i32>} : memref<2x128x64xf32, #tpu.memory_space<vmem>>, vector<1x1x16xf32>,
        %get3A_279 = vector.shape_cast %get3A_278 : vector<1x1x16xf32> to vector<16xf32>
        %mul3A_280 = vector.broadcast %squeeze3A : f32 to vector<16xf32>
        %mul3A_281 = arith.mulf %get3A_279, %mul3A_280 : vector<16xf32>
        %swap3A_282 = arith.constant 1 : i32
        %swap3A_283 = arith.index_cast %swap3A_282 : i32 to index
        %swap3A_284 = arith.index_cast %add3A_273 : i32 to index
        %swap3A_285 = arith.constant 16 : index
        %swap3A_286 = tpu.vector_load %arg7[%swap3A_283, %swap3A_284, %swap3A_285] {strides = array<i32>} : memref<2x128x64xf32, #tpu.memory_space<vmem>>, vector<1x1x16xf32>,
        %swap3A_287 = vector.shape_cast %swap3A_286 : vector<1x1x16xf32> to vector<16xf32>
        %swap3A_288 = vector.shape_cast %mul3A_281 : vector<16xf32> to vector<1x1x16xf32>
        tpu.vector_store %arg7[%swap3A_283, %swap3A_284, %swap3A_285], %swap3A_288 {strides = array<i32>} : memref<2x128x64xf32, #tpu.memory_space<vmem>>, vector<1x1x16xf32>,
        %mul3A_289 = arith.constant 4 : i32
        %mul3A_290 = arith.muli %scan3A_98, %mul3A_289 : i32
        %add3A_291 = arith.constant 2 : i32
        %add3A_292 = arith.addi %mul3A_290, %add3A_291 : i32
        %get3A_293 = arith.constant 1 : i32
        %get3A_294 = arith.index_cast %get3A_293 : i32 to index
        %get3A_295 = arith.index_cast %add3A_292 : i32 to index
        %get3A_296 = arith.constant 32 : index
        %get3A_297 = tpu.vector_load %arg7[%get3A_294, %get3A_295, %get3A_296] {strides = array<i32>} : memref<2x128x64xf32, #tpu.memory_space<vmem>>, vector<1x1x16xf32>,
        %get3A_298 = vector.shape_cast %get3A_297 : vector<1x1x16xf32> to vector<16xf32>
        %mul3A_299 = vector.broadcast %squeeze3A : f32 to vector<16xf32>
        %mul3A_300 = arith.mulf %get3A_298, %mul3A_299 : vector<16xf32>
        %swap3A_301 = arith.constant 1 : i32
        %swap3A_302 = arith.index_cast %swap3A_301 : i32 to index
        %swap3A_303 = arith.index_cast %add3A_292 : i32 to index
        %swap3A_304 = arith.constant 32 : index
        %swap3A_305 = tpu.vector_load %arg7[%swap3A_302, %swap3A_303, %swap3A_304] {strides = array<i32>} : memref<2x128x64xf32, #tpu.memory_space<vmem>>, vector<1x1x16xf32>,
        %swap3A_306 = vector.shape_cast %swap3A_305 : vector<1x1x16xf32> to vector<16xf32>
        %swap3A_307 = vector.shape_cast %mul3A_300 : vector<16xf32> to vector<1x1x16xf32>
        tpu.vector_store %arg7[%swap3A_302, %swap3A_303, %swap3A_304], %swap3A_307 {strides = array<i32>} : memref<2x128x64xf32, #tpu.memory_space<vmem>>, vector<1x1x16xf32>,
        %mul3A_308 = arith.constant 4 : i32
        %mul3A_309 = arith.muli %scan3A_98, %mul3A_308 : i32
        %add3A_310 = arith.constant 2 : i32
        %add3A_311 = arith.addi %mul3A_309, %add3A_310 : i32
        %get3A_312 = arith.constant 1 : i32
        %get3A_313 = arith.index_cast %get3A_312 : i32 to index
        %get3A_314 = arith.index_cast %add3A_311 : i32 to index
        %get3A_315 = arith.constant 48 : index
        %get3A_316 = tpu.vector_load %arg7[%get3A_313, %get3A_314, %get3A_315] {strides = array<i32>} : memref<2x128x64xf32, #tpu.memory_space<vmem>>, vector<1x1x16xf32>,
        %get3A_317 = vector.shape_cast %get3A_316 : vector<1x1x16xf32> to vector<16xf32>
        %mul3A_318 = vector.broadcast %squeeze3A : f32 to vector<16xf32>
        %mul3A_319 = arith.mulf %get3A_317, %mul3A_318 : vector<16xf32>
        %swap3A_320 = arith.constant 1 : i32
        %swap3A_321 = arith.index_cast %swap3A_320 : i32 to index
        %swap3A_322 = arith.index_cast %add3A_311 : i32 to index
        %swap3A_323 = arith.constant 48 : index
        %swap3A_324 = tpu.vector_load %arg7[%swap3A_321, %swap3A_322, %swap3A_323] {strides = array<i32>} : memref<2x128x64xf32, #tpu.memory_space<vmem>>, vector<1x1x16xf32>,
        %swap3A_325 = vector.shape_cast %swap3A_324 : vector<1x1x16xf32> to vector<16xf32>
        %swap3A_326 = vector.shape_cast %mul3A_319 : vector<16xf32> to vector<1x1x16xf32>
        tpu.vector_store %arg7[%swap3A_321, %swap3A_322, %swap3A_323], %swap3A_326 {strides = array<i32>} : memref<2x128x64xf32, #tpu.memory_space<vmem>>, vector<1x1x16xf32>,
        %mul3A_327 = arith.constant 4 : i32
        %mul3A_328 = arith.muli %scan3A_98, %mul3A_327 : i32
        %add3A_329 = arith.constant 3 : i32
        %add3A_330 = arith.addi %mul3A_328, %add3A_329 : i32
        %get3A_331 = arith.constant 1 : i32
        %get3A_332 = arith.index_cast %get3A_331 : i32 to index
        %get3A_333 = arith.index_cast %add3A_330 : i32 to index
        %get3A_334 = arith.constant 0 : index
        %get3A_335 = tpu.vector_load %arg7[%get3A_332, %get3A_333, %get3A_334] {strides = array<i32>} : memref<2x128x64xf32, #tpu.memory_space<vmem>>, vector<1x1x16xf32>,
        %get3A_336 = vector.shape_cast %get3A_335 : vector<1x1x16xf32> to vector<16xf32>
        %mul3A_337 = vector.broadcast %squeeze3A : f32 to vector<16xf32>
        %mul3A_338 = arith.mulf %get3A_336, %mul3A_337 : vector<16xf32>
        %swap3A_339 = arith.constant 1 : i32
        %swap3A_340 = arith.index_cast %swap3A_339 : i32 to index
        %swap3A_341 = arith.index_cast %add3A_330 : i32 to index
        %swap3A_342 = arith.constant 0 : index
        %swap3A_343 = tpu.vector_load %arg7[%swap3A_340, %swap3A_341, %swap3A_342] {strides = array<i32>} : memref<2x128x64xf32, #tpu.memory_space<vmem>>, vector<1x1x16xf32>,
        %swap3A_344 = vector.shape_cast %swap3A_343 : vector<1x1x16xf32> to vector<16xf32>
        %swap3A_345 = vector.shape_cast %mul3A_338 : vector<16xf32> to vector<1x1x16xf32>
        tpu.vector_store %arg7[%swap3A_340, %swap3A_341, %swap3A_342], %swap3A_345 {strides = array<i32>} : memref<2x128x64xf32, #tpu.memory_space<vmem>>, vector<1x1x16xf32>,
        %mul3A_346 = arith.constant 4 : i32
        %mul3A_347 = arith.muli %scan3A_98, %mul3A_346 : i32
        %add3A_348 = arith.constant 3 : i32
        %add3A_349 = arith.addi %mul3A_347, %add3A_348 : i32
        %get3A_350 = arith.constant 1 : i32
        %get3A_351 = arith.index_cast %get3A_350 : i32 to index
        %get3A_352 = arith.index_cast %add3A_349 : i32 to index
        %get3A_353 = arith.constant 16 : index
        %get3A_354 = tpu.vector_load %arg7[%get3A_351, %get3A_352, %get3A_353] {strides = array<i32>} : memref<2x128x64xf32, #tpu.memory_space<vmem>>, vector<1x1x16xf32>,
        %get3A_355 = vector.shape_cast %get3A_354 : vector<1x1x16xf32> to vector<16xf32>
        %mul3A_356 = vector.broadcast %squeeze3A : f32 to vector<16xf32>
        %mul3A_357 = arith.mulf %get3A_355, %mul3A_356 : vector<16xf32>
        %swap3A_358 = arith.constant 1 : i32
        %swap3A_359 = arith.index_cast %swap3A_358 : i32 to index
        %swap3A_360 = arith.index_cast %add3A_349 : i32 to index
        %swap3A_361 = arith.constant 16 : index
        %swap3A_362 = tpu.vector_load %arg7[%swap3A_359, %swap3A_360, %swap3A_361] {strides = array<i32>} : memref<2x128x64xf32, #tpu.memory_space<vmem>>, vector<1x1x16xf32>,
        %swap3A_363 = vector.shape_cast %swap3A_362 : vector<1x1x16xf32> to vector<16xf32>
        %swap3A_364 = vector.shape_cast %mul3A_357 : vector<16xf32> to vector<1x1x16xf32>
        tpu.vector_store %arg7[%swap3A_359, %swap3A_360, %swap3A_361], %swap3A_364 {strides = array<i32>} : memref<2x128x64xf32, #tpu.memory_space<vmem>>, vector<1x1x16xf32>,
        %mul3A_365 = arith.constant 4 : i32
        %mul3A_366 = arith.muli %scan3A_98, %mul3A_365 : i32
        %add3A_367 = arith.constant 3 : i32
        %add3A_368 = arith.addi %mul3A_366, %add3A_367 : i32
        %get3A_369 = arith.constant 1 : i32
        %get3A_370 = arith.index_cast %get3A_369 : i32 to index
        %get3A_371 = arith.index_cast %add3A_368 : i32 to index
        %get3A_372 = arith.constant 32 : index
        %get3A_373 = tpu.vector_load %arg7[%get3A_370, %get3A_371, %get3A_372] {strides = array<i32>} : memref<2x128x64xf32, #tpu.memory_space<vmem>>, vector<1x1x16xf32>,
        %get3A_374 = vector.shape_cast %get3A_373 : vector<1x1x16xf32> to vector<16xf32>
        %mul3A_375 = vector.broadcast %squeeze3A : f32 to vector<16xf32>
        %mul3A_376 = arith.mulf %get3A_374, %mul3A_375 : vector<16xf32>
        %swap3A_377 = arith.constant 1 : i32
        %swap3A_378 = arith.index_cast %swap3A_377 : i32 to index
        %swap3A_379 = arith.index_cast %add3A_368 : i32 to index
        %swap3A_380 = arith.constant 32 : index
        %swap3A_381 = tpu.vector_load %arg7[%swap3A_378, %swap3A_379, %swap3A_380] {strides = array<i32>} : memref<2x128x64xf32, #tpu.memory_space<vmem>>, vector<1x1x16xf32>,
        %swap3A_382 = vector.shape_cast %swap3A_381 : vector<1x1x16xf32> to vector<16xf32>
        %swap3A_383 = vector.shape_cast %mul3A_376 : vector<16xf32> to vector<1x1x16xf32>
        tpu.vector_store %arg7[%swap3A_378, %swap3A_379, %swap3A_380], %swap3A_383 {strides = array<i32>} : memref<2x128x64xf32, #tpu.memory_space<vmem>>, vector<1x1x16xf32>,
        %mul3A_384 = arith.constant 4 : i32
        %mul3A_385 = arith.muli %scan3A_98, %mul3A_384 : i32
        %add3A_386 = arith.constant 3 : i32
        %add3A_387 = arith.addi %mul3A_385, %add3A_386 : i32
        %get3A_388 = arith.constant 1 : i32
        %get3A_389 = arith.index_cast %get3A_388 : i32 to index
        %get3A_390 = arith.index_cast %add3A_387 : i32 to index
        %get3A_391 = arith.constant 48 : index
        %get3A_392 = tpu.vector_load %arg7[%get3A_389, %get3A_390, %get3A_391] {strides = array<i32>} : memref<2x128x64xf32, #tpu.memory_space<vmem>>, vector<1x1x16xf32>,
        %get3A_393 = vector.shape_cast %get3A_392 : vector<1x1x16xf32> to vector<16xf32>
        %mul3A_394 = vector.broadcast %squeeze3A : f32 to vector<16xf32>
        %mul3A_395 = arith.mulf %get3A_393, %mul3A_394 : vector<16xf32>
        %swap3A_396 = arith.constant 1 : i32
        %swap3A_397 = arith.index_cast %swap3A_396 : i32 to index
        %swap3A_398 = arith.index_cast %add3A_387 : i32 to index
        %swap3A_399 = arith.constant 48 : index
        %swap3A_400 = tpu.vector_load %arg7[%swap3A_397, %swap3A_398, %swap3A_399] {strides = array<i32>} : memref<2x128x64xf32, #tpu.memory_space<vmem>>, vector<1x1x16xf32>,
        %swap3A_401 = vector.shape_cast %swap3A_400 : vector<1x1x16xf32> to vector<16xf32>
        %swap3A_402 = vector.shape_cast %mul3A_395 : vector<16xf32> to vector<1x1x16xf32>
        tpu.vector_store %arg7[%swap3A_397, %swap3A_398, %swap3A_399], %swap3A_402 {strides = array<i32>} : memref<2x128x64xf32, #tpu.memory_space<vmem>>, vector<1x1x16xf32>,
        %scan3A_403 = arith.constant 0 : i32
        scf.yield %scan3A_403 : i32
      }
      %scan3A_85 = arith.constant 32 : i32
      %add3A_86 = arith.addi %mul3A_4, %add3A_67 : i32
      %mul3A_87 = arith.constant 128 : i32
      %mul3A_88 = arith.muli %add3A_86, %mul3A_87 : i32
      %run_scoped3A_89 = arith.constant 1 : i32
      "tpu.region"() ({
        %run_scoped3A_98 = tpu.sem_alloc : memref<!tpu.dma_semaphore, #tpu.memory_space<semaphore_mem>>
        %dma_start3A_99 = arith.constant 0 : i32
        %dma_start3A_100 = arith.constant 0 : i32
        %dma_start3A_101 = tpu.memref_slice %arg7[%run_scoped3A_89, %dma_start3A_99, %dma_start3A_100] : memref<2x128x64xf32, #tpu.memory_space<vmem>> -> memref<1x128x64xf32, #tpu.memory_space<vmem>>
        %dma_start3A_102 = tpu.memref_squeeze %dma_start3A_101 : memref<1x128x64xf32, #tpu.memory_space<vmem>> -> memref<128x64xf32, #tpu.memory_space<vmem>>
        %dma_start3A_103 = arith.constant 0 : i32
        %dma_start3A_104 = tpu.memref_slice %arg5[%mul3A_88, %dma_start3A_103] : memref<819200x64xf32, #tpu.memory_space<hbm>> -> memref<128x64xf32, #tpu.memory_space<hbm>>
        %dma_start3A_105 = arith.constant 0 : i32
        %dma_start3A_106 = tpu.memref_slice %arg5[%mul3A_88, %dma_start3A_105] : memref<819200x64xf32, #tpu.memory_space<hbm>> -> memref<128x64xf32, #tpu.memory_space<hbm>>
        %dma_start3A_107 = arith.constant 0 : i32
        %dma_start3A_108 = arith.constant 0 : i32
        %dma_start3A_109 = tpu.memref_slice %arg7[%run_scoped3A_89, %dma_start3A_107, %dma_start3A_108] : memref<2x128x64xf32, #tpu.memory_space<vmem>> -> memref<1x128x64xf32, #tpu.memory_space<vmem>>
        %dma_start3A_110 = tpu.memref_squeeze %dma_start3A_109 : memref<1x128x64xf32, #tpu.memory_space<vmem>> -> memref<128x64xf32, #tpu.memory_space<vmem>>
        tpu.enqueue_dma source(%dma_start3A_110 : memref<128x64xf32, #tpu.memory_space<vmem>>) target(%dma_start3A_106 : memref<128x64xf32, #tpu.memory_space<hbm>>) target_semaphore(%run_scoped3A_98 : memref<!tpu.dma_semaphore, #tpu.memory_space<semaphore_mem>>)
        %dma_wait3A_111 = arith.constant 0 : i32
        %dma_wait3A_112 = arith.constant 0 : i32
        %dma_wait3A_113 = tpu.memref_slice %arg7[%run_scoped3A_89, %dma_wait3A_111, %dma_wait3A_112] : memref<2x128x64xf32, #tpu.memory_space<vmem>> -> memref<1x128x64xf32, #tpu.memory_space<vmem>>
        %dma_wait3A_114 = tpu.memref_squeeze %dma_wait3A_113 : memref<1x128x64xf32, #tpu.memory_space<vmem>> -> memref<128x64xf32, #tpu.memory_space<vmem>>
        %dma_wait3A_115 = arith.constant 0 : i32
        %dma_wait3A_116 = tpu.memref_slice %arg5[%mul3A_88, %dma_wait3A_115] : memref<819200x64xf32, #tpu.memory_space<hbm>> -> memref<128x64xf32, #tpu.memory_space<hbm>>
        %dma_wait3A_117 = arith.constant 0 : i32
        %dma_wait3A_118 = tpu.memref_slice %arg5[%mul3A_88, %dma_wait3A_117] : memref<819200x64xf32, #tpu.memory_space<hbm>> -> memref<128x64xf32, #tpu.memory_space<hbm>>
        %dma_wait3A_119 = arith.constant 0 : i32
        %dma_wait3A_120 = arith.constant 0 : i32
        %dma_wait3A_121 = tpu.memref_slice %arg7[%run_scoped3A_89, %dma_wait3A_119, %dma_wait3A_120] : memref<2x128x64xf32, #tpu.memory_space<vmem>> -> memref<1x128x64xf32, #tpu.memory_space<vmem>>
        %dma_wait3A_122 = tpu.memref_squeeze %dma_wait3A_121 : memref<1x128x64xf32, #tpu.memory_space<vmem>> -> memref<128x64xf32, #tpu.memory_space<vmem>>
        tpu.wait_dma2 semaphore(%run_scoped3A_98 : memref<!tpu.dma_semaphore, #tpu.memory_space<semaphore_mem>>) src(%dma_wait3A_122 : memref<128x64xf32, #tpu.memory_space<vmem>>) dst(%dma_wait3A_118 : memref<128x64xf32, #tpu.memory_space<hbm>>)
        tpu.yield
      }) : () -> ()
      %add3A_90 = arith.constant 2 : i32
      %add3A_91 = arith.addi %add3A_67, %add3A_90 : i32
      %lt3A_92 = arith.constant 200 : i32
      %lt3A_93 = arith.cmpi slt, %add3A_91, %lt3A_92 : i32
      %convert_element_type3A_94 = arith.extui %lt3A_93 : i1 to i32
      %cond3A_95 = arith.constant 0 : i32
      %cond3A_96 = arith.cmpi ne, %convert_element_type3A_94, %cond3A_95 : i32
      scf.if %cond3A_96 {
        %add3A_98 = arith.constant 2 : i32
        %add3A_99 = arith.addi %add3A_67, %add3A_98 : i32
        %dma_start3A_100 = arith.constant 1 : i32
        %dma_start3A_101 = arith.constant 0 : i32
        %dma_start3A_102 = arith.constant 0 : i32
        %dma_start3A_103 = tpu.memref_slice %arg7[%dma_start3A_100, %dma_start3A_101, %dma_start3A_102] : memref<2x128x64xf32, #tpu.memory_space<vmem>> -> memref<1x128x64xf32, #tpu.memory_space<vmem>>
        %dma_start3A_104 = tpu.memref_squeeze %dma_start3A_103 : memref<1x128x64xf32, #tpu.memory_space<vmem>> -> memref<128x64xf32, #tpu.memory_space<vmem>>
        %dma_start3A_105 = arith.constant 0 : i32
        %dma_start3A_106 = tpu.memref_slice %arg6[%add3A_99, %dma_start3A_105] : memref<200x128xi32, #tpu.memory_space<vmem>> -> memref<1x128xi32, #tpu.memory_space<vmem>>
        %dma_start3A_107 = tpu.memref_squeeze %dma_start3A_106 : memref<1x128xi32, #tpu.memory_space<vmem>> -> memref<128xi32, #tpu.memory_space<vmem>>
        %dma_start3A_108 = arith.constant 0 : i32
        %dma_start3A_109 = arith.constant 0 : i32
        %dma_start3A_110 = tpu.memref_slice %arg3[%dma_start3A_108, %dma_start3A_109] : memref<1000000x64xf32, #tpu.memory_space<hbm>> -> memref<1000000x64xf32, #tpu.memory_space<hbm>>
        tpu.enqueue_indirect_dma source(%dma_start3A_110 : memref<1000000x64xf32, #tpu.memory_space<hbm>>) target(%dma_start3A_104 : memref<128x64xf32, #tpu.memory_space<vmem>>) offsets(%dma_start3A_107 : memref<128xi32, #tpu.memory_space<vmem>>) semaphore(%arg9 : memref<!tpu.dma_semaphore, #tpu.memory_space<semaphore_mem>>)
      } else {
      }
      %scan3A_97 = arith.constant 0 : i32
      scf.yield %scan3A_97 : i32
    }
    %scan3A_33 = arith.constant 100 : i32
    return
  }
}

</mosaic_0001>

<sc_bundles>
// kernel: kernel.3.cloned.1.call-start
scs
__scs_entry_jumppad:
0x0: {  	(pc) =	sbr.rel $0x88, $3  }
0x1: {  	(tag) =	ssettag $0x0;
	lr =	simm.s32 $0x1  }
0x2: {  	[smem:$0x3F9F] =	sst lr;
	_ =	strace $0xD0000000  }
0x3: {  	_ = 	snop  }
0x4: {  	_ = 	snop  }
0x5: {  	_ = 	snop  }
0x6: {  	_ = 	snop  }
0x7: {  	_ = 	snop  }
__scs_overlays_trampoline_lowered:
0x8: {  	[smem:$0x3FAE] =	sst s0  }
0x9: {  	[smem:$0x3FAF] =	sst s1  }
0xa: {  	[smem:$0x3FB0] =	sst s2  }
0xb: {  	[smem:$0x3FB1] =	sst s3  }
0xc: {  	[smem:$0x3FB2] =	sst s4  }
0xd: {  	[smem:$0x3FB3] =	sst s5  }
0xe: {  	[smem:$0x3FB4] =	sst s6  }
0xf: {  	[smem:$0x3FB5] =	sst s7  }
0x10: {  	[smem:$0x3FB6] =	sst s8  }
0x11: {  	[smem:$0x3FB7] =	sst s9;
	s0 =	simm.s32 @!p0 $0x0  }
0x12: {  	s1 =	sld [smem:$0x3F9D];
	s0 =	simm.s32 @p0 $0x1  }
0x13: {  	[smem:$0x3FB8] =	sst s0;
	s0 =	simm.s32 @!p1 $0x0  }
0x14: {  	s2 =	sld [smem:$0x3F9C];
	s0 =	simm.s32 @p1 $0x1  }
0x15: {  	[smem:$0x3FB9] =	sst s0;
	s0 =	simm.s32 @!p2 $0x0  }
0x16: {  	s3 =	sld [smem:$0x3FDB];
	s0 =	simm.s32 @p2 $0x1  }
0x17: {  	s4 =	simm.s32 $0x1BF5;
	[smem:$0x3FBB] =	sst s0  }
0x18: {  	s0 =	sld [smem:$0x3F9E];
	_ =	swait.ge [sflag:s4], $0x0  }
0x19: {  	s7 =	sld [smem:$0x3F9F]  }
0x1a: {  	s8 =	sadd.s32 $0xFFFFE003, lr  }
0x1b: {  	s9 =	sadd.s32 $0xFFFFFEF7, lr;
	s5 =	simm.s32 $0xFFFFFFFF;
	p2 =	slt.u32 s8, $0xFFFFF086  }
0x1c: {  	p1 =	slt.u32 s9, $0xF7A;
	s5 =	simm.s32 @!p2 $0x0  }
0x1d: {  	s5 =	simm.s32 @p1 $0x1;
	p0 =	seq.s32 s7, s2  }
0x1e: {  	s7 =	smul.u32 @!p0 $0xF7A, s2;
	p2 =	seq.s32 @!p0 s5, $0x0  }
0x1f: {  	s9 =	smul.u32 $0xF7A, s1;
	s8 =	simm.s32 @!p0 $0x1BF5;
	p2 =	por !p2, p0  }
0x20: {  	[sflag:s8] =	ssyncset.s32 @!p0 $0xFFFFF086;
	s6 =	sadd.s32 @!p0 s3, s7;
	s7 =	simm.s32 @!p0 $0x108  }
0x21: {  	s3 =	sadd.s32 s3, s9;
	s6 =	sadd.s32 @!p0 $0x88, s6;
	s7 =	simm.s32 @p2 $0x1082  }
0x22: {  	[simem:s7], [sflag:s8] =	dma.local @!p0 [hbm:s6], $0xF7A  }
0x23: {  	s9 =	sor.u32 $0xD0000000, s2;
	s6 =	simm.s32 $0x108;
	_ =	swait.ge @!p0 [sflag:s8], $0x0  }
0x24: {  	s3 =	sadd.s32 $0x88, s3;
	s6 =	simm.s32 @!p1 $0x1082;
	[sflag:s4] =	ssyncset.s32 $0xFFFFF086  }
0x25: {  	[simem:s6], [sflag:s4] =	dma.local [hbm:s3], $0xF7A  }
0x26: {  	[smem:$0x3F9F] =	sst s1;
	(tag) =	ssettag s2;
	_ =	strace s9  }
0x27: {  	s1 =	sld [smem:$0x3FAF]  }
0x28: {  	s2 =	sld [smem:$0x3FB0]  }
0x29: {  	s4 =	sld [smem:$0x3FB2]  }
0x2a: {  	p0 =	seq.s32 s5, $0x0;
	s5 =	sld [smem:$0x3FB3]  }
0x2b: {  	s6 =	sld [smem:$0x3FB4]  }
0x2c: {  	s7 =	sld [smem:$0x3FB5]  }
0x2d: {  	s3 =	simm.s32 $0x108;
	s8 =	sld [smem:$0x3FB6]  }
0x2e: {  	s3 =	simm.s32 @!p0 $0x1082;
	s9 =	sld [smem:$0x3FB7]  }
0x2f: {  	lr =	sadd.s32 s0, s3;
	s0 =	sld [smem:$0x3FAE]  }
0x30: {  	s3 =	sld [smem:$0x3FB1]  }
0x31: {  	[smem:$0x3FBA] =	sst s10  }
0x32: {  	s10 =	sld [smem:$0x3FB8];
	_ =	sdelay $0x3  }
0x33: {  	p0 =	seq.s32 s10, $0x1;
	s10 =	sld [smem:$0x3FBA];
	_ =	sdelay $0x3  }
0x34: {  	[smem:$0x3FBA] =	sst s10  }
0x35: {  	s10 =	sld [smem:$0x3FB9];
	_ =	sdelay $0x3  }
0x36: {  	p1 =	seq.s32 s10, $0x1;
	s10 =	sld [smem:$0x3FBA];
	_ =	sdelay $0x3  }
0x37: {  	[smem:$0x3FBA] =	sst s10  }
0x38: {  	s10 =	sld [smem:$0x3FBB]  }
0x39: {  	_ = 	snop;
	(pc) =	sbr.ind lr, $3  }
0x3a: {  	_ = 	snop  }
0x3b: {  	_ = 	snop  }
0x3c: {  	p2 =	seq.s32 s10, $0x1;
	s10 =	sld [smem:$0x3FBA]  }
0x3d: {  	_ =	shalt  }
0x3e: {  	_ =	shalt  }
0x3f: {  	_ =	shalt  }
0x40: {  	_ =	shalt  }
0x41: {  	_ =	shalt  }
0x42: {  	_ =	shalt  }
0x43: {  	_ =	shalt  }
0x44: {  	_ =	shalt  }
0x45: {  	_ =	shalt  }
0x46: {  	_ =	shalt  }
0x47: {  	_ =	shalt  }
0x48: {  	_ =	shalt  }
0x49: {  	_ =	shalt  }
0x4a: {  	_ =	shalt  }
0x4b: {  	_ =	shalt  }
0x4c: {  	_ =	shalt  }
0x4d: {  	_ =	shalt  }
0x4e: {  	_ =	shalt  }
0x4f: {  	_ =	shalt  }
0x50: {  	_ =	shalt  }
0x51: {  	_ =	shalt  }
0x52: {  	_ =	shalt  }
0x53: {  	_ =	shalt  }
0x54: {  	_ =	shalt  }
0x55: {  	_ =	shalt  }
0x56: {  	_ =	shalt  }
0x57: {  	_ =	shalt  }
0x58: {  	_ =	shalt  }
0x59: {  	_ =	shalt  }
0x5a: {  	_ =	shalt  }
0x5b: {  	_ =	shalt  }
0x5c: {  	_ =	shalt  }
0x5d: {  	_ =	shalt  }
0x5e: {  	_ =	shalt  }
0x5f: {  	_ =	shalt  }
0x60: {  	_ =	shalt  }
0x61: {  	_ =	shalt  }
0x62: {  	_ =	shalt  }
0x63: {  	_ =	shalt  }
0x64: {  	_ =	shalt  }
0x65: {  	_ =	shalt  }
0x66: {  	_ =	shalt  }
0x67: {  	_ =	shalt  }
0x68: {  	_ =	shalt  }
0x69: {  	_ =	shalt  }
0x6a: {  	_ =	shalt  }
0x6b: {  	_ =	shalt  }
0x6c: {  	_ =	shalt  }
0x6d: {  	_ =	shalt  }
0x6e: {  	_ =	shalt  }
0x6f: {  	_ =	shalt  }
0x70: {  	_ =	shalt  }
0x71: {  	_ =	shalt  }
0x72: {  	_ =	shalt  }
0x73: {  	_ =	shalt  }
0x74: {  	_ =	shalt  }
0x75: {  	_ =	shalt  }
0x76: {  	_ =	shalt  }
0x77: {  	_ =	shalt  }
0x78: {  	_ =	shalt  }
0x79: {  	_ =	shalt  }
0x7a: {  	_ =	shalt  }
0x7b: {  	_ =	shalt  }
0x7c: {  	_ =	shalt  }
0x7d: {  	_ =	shalt  }
0x7e: {  	_ =	shalt  }
0x7f: {  	_ =	shalt  }
0x80: {  	_ =	shalt  }
0x81: {  	_ =	shalt  }
0x82: {  	_ =	shalt  }
0x83: {  	_ =	shalt  }
0x84: {  	_ =	shalt  }
0x85: {  	_ =	shalt  }
0x86: {  	_ =	shalt  }
0x87: {  	_ =	shalt  }
.Lfunc_end0:
.L_simem_size_0:
called_computation.1_lowered:
.L_overlay_start_0:
0x88: {  	s2 =	sld [smem:$0x3FD9]  }
0x89: {  	s3 =	sld [smem:$0x3FFE];
	_ =	sdelay $0x1  }
0x8a: {  	s1 =	srdreg.scid  }
0x8b: {  	s0 =	sand.u32 $0x1, s1  }
0x8c: {  	s17 =	sshll.u32 s0, $0xA;
	s2 =	sadd.s32 s3, s2  }
0x8d: {  	s2 =	sadd.s32 s2, s17  }
0x8e: {  	[smem:$0x3FC6] =	sst s2  }
0x8f: {  	_ = 	snop  }
0x90: {  	s2 =	sld [smem:$0x3FD0];
	(tm) =	ssettm $0x1  }
0x91: {  	s18 =	sld [smem:$0x3FFB];
	_ =	sdelay $0x3  }
0x92: {  	_ =	strace s18  }
0x93: {  	s3 =	sld [smem:$0x3FFC];
	_ =	sdelay $0x3  }
0x94: {  	_ =	strace s3  }
0x95: {  	s3 =	sld [smem:$0x3FFD];
	_ =	sdelay $0x3  }
0x96: {  	_ =	strace s3  }
0x97: {  	_ =	strace $0x8FFFFFFF  }
0x98: {  	s19 =	sld [smem:$0x3FDB];
	_ =	sdelay $0x1  }
0x99: {  	s4 =	simm.s32 $_scs_section_size  }
0x9a: {  	s5 =	simm.s32 $_size__tile_overlayer_lowered;
	s6 =	simm.s32 $_tile_overlayer_lowered  }
0x9b: {  	s22 =	simm.s32 $0x1BFF;
	s21 =	sshll.u32 s6, $0x1;
	s3 =	sadd.s32 s4, s19  }
0x9c: {  	s7 =	simm.s32 $0x0;
	s20 =	sshll.u32 s5, $0x1;
	s5 =	sadd.s32 s21, s3  }
0x9d: {  	[timem:s7], [sflag:s22] =	dma.local [hbm:s5], s20  }
0x9e: {  	_ =	swait.ge [sflag:s22], s20  }
0x9f: {  	s4 =	ssub.s32 $0x0, s20;
	[sflag:s22] =	ssyncset.done $0x0  }
0xa0: {  	[sflag:s22] =	ssyncadd.s32 s4;
	_ =	sdelay $0x1  }
0xa1: {  	s23 =	simm.s32 $0x1B8B  }
0xa2: {  	_ =	swait.ge [sflag:s23], $0x1  }
0xa3: {  	[sflag:s23] =	ssyncset.done $0x0  }
0xa4: {  	s25 =	simm.s32 $0x1B8E;
	s24 =	sld [smem:$0x3FFE];
	[sflag:s23] =	ssyncadd.s32 $0xFFFFFFFF  }
0xa5: {  	s26 =	simm.s32 $execute0_lowered;
	[smem:$0x3FD2] =	sst s25  }
0xa6: {  	s5 =	sshll.u32 s26, $0x1;
	_ =	strace $0x80000046;
	[dreg:$0x1] =	wrdreg $0xFFFFFFFF  }
0xa7: {  	s28 =	simm.s32 $_size_execute0_lowered;
	s3 =	sadd.s32 s3, s5;
	[dreg:$0x0] =	wrdreg $0x0  }
0xa8: {  	s5 =	sshll.u32 s28, $0x1;
	[dreg:$0x2] =	wrdreg s3  }
0xa9: {  	[dreg:$0x3] =	wrdreg s5  }
0xaa: {  	[dreg:$0x4] =	wrdreg $0xC0  }
0xab: {  	_ =	task [dreg:s7], $0x5FFFF  }
0xac: {  	[dreg:$0x1] =	wrdreg $0xFFFFFFFF  }
0xad: {  	[dreg:$0x0] =	wrdreg $0x60  }
0xae: {  	[dreg:$0x2] =	wrdreg s24  }
0xaf: {  	[dreg:$0x3] =	wrdreg s2  }
0xb0: {  	[dreg:$0x4] =	wrdreg $0x9  }
0xb1: {  	_ =	task.clear_ibuf [dreg:s7], $0x5FFFF;
	_ =	strace $0x90000046  }
0xb2: {  	s29 =	simm.s32 $0x9;
	_ =	strace $0x80000048  }
0xb3: {  	_ =	swait.ge [sflag:s29], $0x1  }
0xb4: {  	[sflag:s29] =	ssyncadd.s32 $0xFFFFFFFF  }
0xb5: {  	_ =	strace $0x90000048  }
0xb6: {  	_ =	sfence  }
0xb7: {  	s30 =	sld [smem:$0x0];
	_ =	sdelay $0x2  }
0xb8: {  	s31 =	sshll.u32 s1, $0xD;
	s1 =	sshrl.u32 s1, $0x2  }
0xb9: {  	s3 =	sand.u32 $0x4000, s31;
	s1 =	sadd.s32 s1, s30  }
0xba: {  	s0 =	sor.u32 s3, s0;
	s1 =	sshll.u32 s1, $0x11  }
0xbb: {  	s0 =	sor.u32 s1, s0  }
0xbc: {  	s0 =	sadd.s32 $0x8F2B, s0  }
0xbd: {  	[sflag:s0] =	ssyncadd.remote.s32 $0x1  }
0xbe: {  	_ =	sfence.sel $0xFFFF  }
0xbf: {  	[dreg:$0x0] =	wrdreg $0xFFFFFFFF;
	(pc) =	sbr.abs _section_cstart, $3  }
0xc0: {  	[dreg:$0x1] =	wrdreg $0xFFFFFFFF  }
0xc1: {  	_ =	task.clear_ibuf [dreg:s7], $0x2FFFF;
	_ =	strace $0x9FFFFFFF  }
0xc2: {  	(tm) =	ssettm $0x7FFFFFFF  }
0xc3: {  	_ =	shalt  }
tec
execute0_lowered:
.L_overlay_start_1:
0x0: {  	(tag) =	ssettag $0x1  }
0x1: {  	s6 =	rddreg [dreg:$0x0];
	s1 =	srdreg.scid  }
0x2: {  	s0 =	stileid.u32;
	s2 =	rddreg [dreg:$0x1]  }
0x3: {  	s3 =	simm.s32 $0x0;
	s10 =	simm.s32 $0xA400;
	s11 =	simm.s32 $0x3  }
0x4: {  	s12 =	simm.s32 $0x80;
	s13 =	simm.s32 $0x6400;
	s14 =	simm.s32 $0x8400  }
0x5: {  	s15 =	simm.s32 $0x1;
	s16 =	simm.s32 $0x2;
	s17 =	simm.s32 $0x0  }
0x6: {  	s4 =	sand.u32 $0x1, s1;
	s5 =	sshll.u32 s0, $0x1;
	s1 =	rddreg [dreg:$0x2]  }
.Ltmp0:
0x7: {  	[smem:$0x7FF] =	sst s3;
	s5 =	sor.u32 s4, s5;
	(pc) =	sbr.rel .LBB2_1-.Ltmp0, $4  }
0x8: {  	_ =	strace $0x80000047;
	s8 =	ssub.s32 $0x2, s4;
	s7 =	smul.u32 $0xC80, s5  }
0x9: {  	s4 =	smul.u32 $0xC8, s5;
	s5 =	sadd.s32 $0xF42E00, s6;
	s9 =	sshrl.u32 s8, $0x1  }
0xa: {  	s9 =	ssub.s32 s8, s9;
	s7 =	sadd.s32 s7, s6;
	s6 =	sadd.s32 $0x19A00, s6  }
0xb: {  	s8 =	sor.u32 $0x1, s4;
	s9 =	smax.u32 s9, $0x1;
	s7 =	sadd.s32 $0xA00, s7  }
.LBB2_8:
0xc: {  	s17 =	sadd.s32 $0x1, s17  }
0xd: {  	p0 =	sne.s32 s17, s9  }
.Ltmp1:
0xe: {  	_ = 	snop;
	(pc) =	sbr.rel @!p0 .LBB2_9-.Ltmp1, $1  }
0xf: {  	_ =	sdelay $0x3  }
.LBB2_1:
0x10: {  	[tilespmem:s10], [sflag:$0x3] =	stream.linear.gather [hbm4b:s6+s3], $0x1, $0x38;
	[tilespmem:$0xA410] =	vst v63  }
0x11: {  	_ =	swait.ge [sflag:s11], $0x1  }
0x12: {  	[sflag:s11] =	ssyncset.done $0x0  }
0x13: {  	[sflag:s11] =	ssyncadd.s32 $0xFFFFFFFF  }
0x14: {  	v0 =	vld.msk [tilespmem:$0xA400 ss:$0x0], $0xffff;
	[tilespmem:s3], [sflag:$0x3] =	stream.linear.gather [hbm4b:s7+s3], $0x6400, $0x38  }
0x15: {  	_ =	swait.ge [sflag:s11], $0x6400  }
0x16: {  	[sflag:s11] =	ssyncset.done $0x0  }
0x17: {  	[sflag:s11] =	ssyncadd.s32 $0xFFFF9C00  }
0x18: {  	[tilespmem:s13], [sflag:$0x1] =	stream.indirect.gather [hbm4b:s5+s12], $0x40, s3, s12, $0xb8;
	[tilespmem:$0xA410] =	vst v63  }
0x19: {  	s18 =	simm.s32 $0x0  }
0x1a: {  	[tilespmem:s14], [sflag:$0x2] =	stream.indirect.gather [hbm4b:s5+s12], $0x40, s12, s12, $0xb8;
	[tilespmem:$0xA410] =	vst v63  }
.LBB2_2:
0x1b: {  	_ =	swait.ge [sflag:s15], $0x2000  }
0x1c: {  	[sflag:s15] =	ssyncset.done $0x0  }
0x1d: {  	s20 =	simm.s32 $0x0;
	[sflag:s15] =	ssyncadd.s32 $0xFFFFE000  }
0x1e: {  	v1 =	vld [tilespmem:s20+$0x6400]  }
0x1f: {  	v2 =	vld [tilespmem:s20+$0x6410]  }
0x20: {  	v3 =	vld [tilespmem:s20+$0x6420]  }
0x21: {  	v4 =	vld [tilespmem:s20+$0x6430]  }
0x22: {  	v5 =	vld [tilespmem:s20+$0x6440]  }
0x23: {  	v6 =	vld [tilespmem:s20+$0x6450];
	v1 =	vmul.f32 v1, v0  }
0x24: {  	v7 =	vld [tilespmem:s20+$0x6460];
	v2 =	vmul.f32 v2, v0  }
0x25: {  	v8 =	vld [tilespmem:s20+$0x6470];
	[tilespmem:s20+$0x6400] =	vst v1;
	v1 =	vmul.f32 v3, v0  }
0x26: {  	v9 =	vld [tilespmem:s20+$0x6480];
	[tilespmem:s20+$0x6410] =	vst v2;
	v2 =	vmul.f32 v4, v0  }
0x27: {  	v10 =	vld [tilespmem:s20+$0x6490];
	[tilespmem:s20+$0x6420] =	vst v1;
	v1 =	vmul.f32 v5, v0  }
0x28: {  	v3 =	vmul.f32 v6, v0;
	[tilespmem:s20+$0x6430] =	vst v2;
	v2 =	vld [tilespmem:s20+$0x64A0]  }
0x29: {  	v4 =	vmul.f32 v7, v0;
	[tilespmem:s20+$0x6440] =	vst v1;
	v1 =	vld [tilespmem:s20+$0x64B0]  }
0x2a: {  	[tilespmem:s20+$0x6450] =	vst v3;
	v3 =	vld [tilespmem:s20+$0x64C0];
	v5 =	vmul.f32 v8, v0  }
0x2b: {  	v7 =	vmul.f32 v9, v0;
	[tilespmem:s20+$0x6460] =	vst v4;
	v4 =	vld [tilespmem:s20+$0x64D0]  }
0x2c: {  	s19 =	simm.s32 $0x400;
	v6 =	vmul.f32 v10, v0;
	[tilespmem:s20+$0x6470] =	vst v5;
	v5 =	vld [tilespmem:s20+$0x64E0]  }
.LBB2_3:
0x2d: {  	s21 =	sshra.s32 s19, $0x2;
	p0 =	sne.s32 s19, $0x7C00;
	[tilespmem:s20+$0x6480] =	vst v7;
	v2 =	vmul.f32 v2, v0;
	v7 =	vld [tilespmem:s20+$0x64F0]  }
0x2e: {  	v8 =	vld [tilespmem:s21+$0x6400];
	[tilespmem:s20+$0x6490] =	vst v6;
	v1 =	vmul.f32 v1, v0  }
0x2f: {  	v6 =	vld [tilespmem:s21+$0x6410];
	[tilespmem:s20+$0x64A0] =	vst v2;
	v2 =	vmul.f32 v3, v0  }
0x30: {  	v3 =	vld [tilespmem:s21+$0x6420];
	[tilespmem:s20+$0x64B0] =	vst v1;
	v1 =	vmul.f32 v4, v0  }
0x31: {  	v4 =	vld [tilespmem:s21+$0x6430];
	[tilespmem:s20+$0x64C0] =	vst v2;
	v2 =	vmul.f32 v5, v0  }
0x32: {  	v5 =	vld [tilespmem:s21+$0x6440];
	[tilespmem:s20+$0x64D0] =	vst v1;
	v1 =	vmul.f32 v7, v0  }
0x33: {  	v7 =	vmul.f32 v8, v0;
	v8 =	vld [tilespmem:s21+$0x6450];
	[tilespmem:s20+$0x64E0] =	vst v2  }
0x34: {  	v2 =	vmul.f32 v6, v0;
	v6 =	vld [tilespmem:s21+$0x6460];
	[tilespmem:s20+$0x64F0] =	vst v1;
	s20 =	smov.u32 s21  }
0x35: {  	[tilespmem:s20+$0x6400] =	vst v7;
	v1 =	vmul.f32 v3, v0;
	v3 =	vld [tilespmem:s20+$0x6470]  }
0x36: {  	[tilespmem:s20+$0x6410] =	vst v2;
	v2 =	vmul.f32 v4, v0;
	v4 =	vld [tilespmem:s20+$0x6480]  }
0x37: {  	[tilespmem:s20+$0x6420] =	vst v1;
	v1 =	vmul.f32 v5, v0;
	v5 =	vld [tilespmem:s20+$0x6490]  }
.Ltmp2:
0x38: {  	[tilespmem:s20+$0x6430] =	vst v2;
	v7 =	vmul.f32 v8, v0;
	v2 =	vld [tilespmem:s20+$0x64A0];
	(pc) =	sbr.rel @p0 .LBB2_3-.Ltmp2, $4  }
0x39: {  	[tilespmem:s20+$0x6440] =	vst v1;
	v6 =	vmul.f32 v6, v0;
	v1 =	vld [tilespmem:s20+$0x64B0]  }
0x3a: {  	[tilespmem:s20+$0x6450] =	vst v7;
	v8 =	vmul.f32 v3, v0;
	v3 =	vld [tilespmem:s20+$0x64C0]  }
0x3b: {  	[tilespmem:s20+$0x6460] =	vst v6;
	v7 =	vmul.f32 v4, v0;
	v4 =	vld [tilespmem:s20+$0x64D0]  }
0x3c: {  	s19 =	sadd.s32 $0x400, s19;
	[tilespmem:s20+$0x6470] =	vst v8;
	v6 =	vmul.f32 v5, v0;
	v5 =	vld [tilespmem:s20+$0x64E0]  }
0x3d: {  	[tilespmem:s20+$0x6480] =	vst v7;
	v2 =	vmul.f32 v2, v0;
	v7 =	vld [tilespmem:s20+$0x64F0]  }
0x3e: {  	[tilespmem:s20+$0x6490] =	vst v6;
	v1 =	vmul.f32 v1, v0  }
0x3f: {  	[tilespmem:s20+$0x64A0] =	vst v2;
	v2 =	vmul.f32 v3, v0  }
0x40: {  	[tilespmem:s20+$0x64B0] =	vst v1;
	v1 =	vmul.f32 v4, v0  }
0x41: {  	s19 =	sshll.u32 s18, $0x1;
	[tilespmem:s20+$0x64C0] =	vst v2;
	v2 =	vmul.f32 v5, v0  }
0x42: {  	s21 =	sadd.s32 s4, s19;
	[tilespmem:s20+$0x64D0] =	vst v1;
	v1 =	vmul.f32 v7, v0  }
0x43: {  	s21 =	sshll.u32 s21, $0xA;
	[tilespmem:s20+$0x64E0] =	vst v2  }
0x44: {  	p0 =	seq.s32 s18, $0x63;
	s31 =	sadd.s32 s2, s21;
	[tilespmem:s20+$0x64F0] =	vst v1  }
0x45: {  	[hbm4b:s31+s3] =	stream.linear.scatter [tilespmem:s13], [sflag:$0x3], $0x2000, $0x38;
	[tilespmem:$0xA410] =	vst v63  }
0x46: {  	s20 =	sshll.u32 @!p0 s18, $0x8;
	_ =	swait.ge [sflag:s11], $0x2000  }
0x47: {  	s22 =	simm.s32 @!p0 $0x6400;
	s20 =	sand.u32 @!p0 $0x3FFFFF00, s20;
	[sflag:s11] =	ssyncset.done $0x0  }
0x48: {  	s21 =	simm.s32 @!p0 $0x80;
	s20 =	sadd.s32 @!p0 $0x100, s20;
	[sflag:s11] =	ssyncadd.s32 $0xFFFFE000  }
0x49: {  	[tilespmem:s22], [sflag:$0x1] =	stream.indirect.gather @!p0 [hbm4b:s5+s21], $0x40, s20, s21, $0xb8;
	[tilespmem:$0xA410] =	vst v63  }
0x4a: {  	_ =	swait.ge [sflag:s16], $0x2000  }
0x4b: {  	[sflag:s16] =	ssyncset.done $0x0  }
0x4c: {  	s20 =	simm.s32 $0x0;
	[sflag:s16] =	ssyncadd.s32 $0xFFFFE000  }
0x4d: {  	v1 =	vld [tilespmem:s20+$0x8400]  }
0x4e: {  	v2 =	vld [tilespmem:s20+$0x8410]  }
0x4f: {  	v3 =	vld [tilespmem:s20+$0x8420]  }
0x50: {  	v4 =	vld [tilespmem:s20+$0x8430]  }
0x51: {  	v5 =	vld [tilespmem:s20+$0x8440]  }
0x52: {  	v6 =	vld [tilespmem:s20+$0x8450];
	v1 =	vmul.f32 v1, v0  }
0x53: {  	v7 =	vld [tilespmem:s20+$0x8460];
	v2 =	vmul.f32 v2, v0  }
0x54: {  	v8 =	vld [tilespmem:s20+$0x8470];
	[tilespmem:s20+$0x8400] =	vst v1;
	v1 =	vmul.f32 v3, v0  }
0x55: {  	v9 =	vld [tilespmem:s20+$0x8480];
	[tilespmem:s20+$0x8410] =	vst v2;
	v2 =	vmul.f32 v4, v0  }
0x56: {  	v10 =	vld [tilespmem:s20+$0x8490];
	[tilespmem:s20+$0x8420] =	vst v1;
	v1 =	vmul.f32 v5, v0  }
0x57: {  	v3 =	vmul.f32 v6, v0;
	[tilespmem:s20+$0x8430] =	vst v2;
	v2 =	vld [tilespmem:s20+$0x84A0]  }
0x58: {  	v4 =	vmul.f32 v7, v0;
	[tilespmem:s20+$0x8440] =	vst v1;
	v1 =	vld [tilespmem:s20+$0x84B0]  }
0x59: {  	[tilespmem:s20+$0x8450] =	vst v3;
	v3 =	vld [tilespmem:s20+$0x84C0];
	v5 =	vmul.f32 v8, v0  }
0x5a: {  	v7 =	vmul.f32 v9, v0;
	[tilespmem:s20+$0x8460] =	vst v4;
	v4 =	vld [tilespmem:s20+$0x84D0]  }
0x5b: {  	s21 =	simm.s32 $0x400;
	v6 =	vmul.f32 v10, v0;
	[tilespmem:s20+$0x8470] =	vst v5;
	v5 =	vld [tilespmem:s20+$0x84E0]  }
.LBB2_5:
0x5c: {  	s22 =	sshra.s32 s21, $0x2;
	p1 =	sne.s32 s21, $0x7C00;
	[tilespmem:s20+$0x8480] =	vst v7;
	v2 =	vmul.f32 v2, v0;
	v7 =	vld [tilespmem:s20+$0x84F0]  }
0x5d: {  	v8 =	vld [tilespmem:s22+$0x8400];
	[tilespmem:s20+$0x8490] =	vst v6;
	v1 =	vmul.f32 v1, v0  }
0x5e: {  	v6 =	vld [tilespmem:s22+$0x8410];
	[tilespmem:s20+$0x84A0] =	vst v2;
	v2 =	vmul.f32 v3, v0  }
0x5f: {  	v3 =	vld [tilespmem:s22+$0x8420];
	[tilespmem:s20+$0x84B0] =	vst v1;
	v1 =	vmul.f32 v4, v0  }
0x60: {  	v4 =	vld [tilespmem:s22+$0x8430];
	[tilespmem:s20+$0x84C0] =	vst v2;
	v2 =	vmul.f32 v5, v0  }
0x61: {  	v5 =	vld [tilespmem:s22+$0x8440];
	[tilespmem:s20+$0x84D0] =	vst v1;
	v1 =	vmul.f32 v7, v0  }
0x62: {  	v7 =	vmul.f32 v8, v0;
	v8 =	vld [tilespmem:s22+$0x8450];
	[tilespmem:s20+$0x84E0] =	vst v2  }
0x63: {  	v2 =	vmul.f32 v6, v0;
	v6 =	vld [tilespmem:s22+$0x8460];
	[tilespmem:s20+$0x84F0] =	vst v1;
	s20 =	smov.u32 s22  }
0x64: {  	[tilespmem:s20+$0x8400] =	vst v7;
	v1 =	vmul.f32 v3, v0;
	v3 =	vld [tilespmem:s20+$0x8470]  }
0x65: {  	[tilespmem:s20+$0x8410] =	vst v2;
	v2 =	vmul.f32 v4, v0;
	v4 =	vld [tilespmem:s20+$0x8480]  }
0x66: {  	[tilespmem:s20+$0x8420] =	vst v1;
	v1 =	vmul.f32 v5, v0;
	v5 =	vld [tilespmem:s20+$0x8490]  }
.Ltmp3:
0x67: {  	[tilespmem:s20+$0x8430] =	vst v2;
	v7 =	vmul.f32 v8, v0;
	v2 =	vld [tilespmem:s20+$0x84A0];
	(pc) =	sbr.rel @p1 .LBB2_5-.Ltmp3, $4  }
0x68: {  	[tilespmem:s20+$0x8440] =	vst v1;
	v6 =	vmul.f32 v6, v0;
	v1 =	vld [tilespmem:s20+$0x84B0]  }
0x69: {  	[tilespmem:s20+$0x8450] =	vst v7;
	v8 =	vmul.f32 v3, v0;
	v3 =	vld [tilespmem:s20+$0x84C0]  }
0x6a: {  	[tilespmem:s20+$0x8460] =	vst v6;
	v7 =	vmul.f32 v4, v0;
	v4 =	vld [tilespmem:s20+$0x84D0]  }
0x6b: {  	s21 =	sadd.s32 $0x400, s21;
	[tilespmem:s20+$0x8470] =	vst v8;
	v6 =	vmul.f32 v5, v0;
	v5 =	vld [tilespmem:s20+$0x84E0]  }
0x6c: {  	[tilespmem:s20+$0x8480] =	vst v7;
	v2 =	vmul.f32 v2, v0;
	v63 =	vld [tilespmem:s20+$0x84F0]  }
0x6d: {  	[tilespmem:s20+$0x8490] =	vst v6;
	v1 =	vmul.f32 v1, v0  }
0x6e: {  	[tilespmem:s20+$0x84A0] =	vst v2;
	v2 =	vmul.f32 v3, v0  }
0x6f: {  	[tilespmem:s20+$0x84B0] =	vst v1;
	v1 =	vmul.f32 v4, v0  }
0x70: {  	s19 =	sadd.s32 s19, s8;
	[tilespmem:s20+$0x84C0] =	vst v2;
	v2 =	vmul.f32 v5, v0  }
0x71: {  	s19 =	sshll.u32 s19, $0xA;
	[tilespmem:s20+$0x84D0] =	vst v1;
	v1 =	vmul.f32 v63, v0  }
0x72: {  	s19 =	sand.u32 $0x1FFFFC00, s19;
	[tilespmem:s20+$0x84E0] =	vst v2  }
.Ltmp4:
0x73: {  	s19 =	sadd.s32 s2, s19;
	[tilespmem:s20+$0x84F0] =	vst v1;
	(pc) =	sbr.rel @p0 .LBB2_8-.Ltmp4, $4  }
0x74: {  	[hbm4b:s19+s3] =	stream.linear.scatter [tilespmem:s14], [sflag:$0x3], $0x2000, $0x38;
	[tilespmem:$0xA410] =	vst v63  }
0x75: {  	_ =	swait.ge [sflag:s11], $0x2000  }
0x76: {  	[sflag:s11] =	ssyncset.done $0x0  }
0x77: {  	[sflag:s11] =	ssyncadd.s32 $0xFFFFE000  }
.Ltmp5:
0x78: {  	(pc) =	sbr.rel .LBB2_2-.Ltmp5, $4  }
0x79: {  	s19 =	sshll.u32 s18, $0x8  }
0x7a: {  	s19 =	sand.u32 $0x3FFFFF00, s19  }
0x7b: {  	s18 =	sadd.s32 $0x1, s18;
	s19 =	sadd.s32 $0x180, s19  }
0x7c: {  	[tilespmem:s14], [sflag:$0x2] =	stream.indirect.gather [hbm4b:s5+s12], $0x40, s19, s12, $0xb8;
	[tilespmem:$0xA410] =	vst v63  }
.LBB2_9:
0x7d: {  	_ =	sfence.sel $0x180000  }
0x7e: {  	[bflag:$0x0] =	sbarrier.arrive $0xFFFF  }
0x7f: {  	p0 =	sne.s32 s0, $0x0;
	_ =	strace $0x90000047  }
0x80: {  	s0 =	sadd.s32 @!p0 $0x100000, s1;
	[bflag:$0x2] =	sbarrier.arrive $0xFFFF  }
0x81: {  	[sflag:s0] =	ssyncadd.tile.s32 @!p0 $0x1;
	_ =	shalt  }
.Lfunc_end2:
_tile_overlayer_lowered:
.L_overlay_start_2:
0x82: {  	(tag) =	ssettag $0x2  }
0x83: {  	s0 =	rddreg [dreg:$0x0];
	s2 =	stileid.u32  }
0x84: {  	s1 =	rddreg [dreg:$0x1];
	p0 =	sne.s32 s2, $0x0  }
0x85: {  	s3 =	rddreg [dreg:$0x2];
	[bflag:$0x3] =	sbarrier.arrive $0xFFFF;
	s2 =	simm.s32 @!p0 $0x1C03  }
0x86: {  	[timem:s3], [sflag:s2] =	dma.local @!p0 [hbm:s0], s1  }
0x87: {  	s0 =	simm.s32 @!p0 $0x3  }
0x88: {  	_ =	swait.ge @!p0 [sflag:s0], s1  }
0x89: {  	s1 =	ssub.s32 @!p0 $0x0, s1;
	[sflag:s0] =	ssyncset.done @!p0 $0x0  }
0x8a: {  	[sflag:s0] =	ssyncadd.s32 @!p0 s1  }
0x8b: {  	[bflag:$0x3] =	sbarrier.arrive $0xFFFF  }
0x8c: {  	_ =	shalt  }

// kernel: sparse-core-data-format-call.cloned.1.call-start
scs
called_computation_lowered:
.L_overlay_start_0:
0x0: {  	s2 =	sld [smem:$0x3FD9]  }
0x1: {  	s3 =	sld [smem:$0x3FFE];
	_ =	sdelay $0x1  }
0x2: {  	s1 =	srdreg.scid  }
0x3: {  	s0 =	sand.u32 $0x1, s1  }
0x4: {  	s18 =	sshll.u32 s0, $0xA;
	s2 =	sadd.s32 s3, s2  }
0x5: {  	s2 =	sadd.s32 s2, s18  }
0x6: {  	[smem:$0x3FC6] =	sst s2  }
0x7: {  	_ = 	snop  }
0x8: {  	s2 =	sld [smem:$0x3FD0];
	(tm) =	ssettm $0x1  }
0x9: {  	s19 =	sld [smem:$0x3FFB];
	_ =	sdelay $0x3  }
0xa: {  	_ =	strace s19  }
0xb: {  	s3 =	sld [smem:$0x3FFC];
	_ =	sdelay $0x3  }
0xc: {  	_ =	strace s3  }
0xd: {  	s3 =	sld [smem:$0x3FFD];
	_ =	sdelay $0x3  }
0xe: {  	_ =	strace s3  }
0xf: {  	_ =	strace $0x8FFFFFFF  }
0x10: {  	s20 =	sld [smem:$0x3FDB];
	_ =	sdelay $0x1  }
0x11: {  	s4 =	simm.s32 $_scs_section_size  }
0x12: {  	s5 =	simm.s32 $_size__tile_overlayer_lowered;
	s6 =	simm.s32 $_tile_overlayer_lowered  }
0x13: {  	s23 =	simm.s32 $0x1BFF;
	s22 =	sshll.u32 s6, $0x1;
	s3 =	sadd.s32 s4, s20  }
0x14: {  	s7 =	simm.s32 $0x0;
	s21 =	sshll.u32 s5, $0x1;
	s5 =	sadd.s32 s22, s3  }
0x15: {  	[timem:s7], [sflag:s23] =	dma.local [hbm:s5], s21  }
0x16: {  	_ =	swait.ge [sflag:s23], s21  }
0x17: {  	s4 =	ssub.s32 $0x0, s21;
	[sflag:s23] =	ssyncset.done $0x0  }
0x18: {  	[sflag:s23] =	ssyncadd.s32 s4;
	_ =	sdelay $0x1  }
0x19: {  	s24 =	simm.s32 $0x1B8B  }
0x1a: {  	_ =	swait.ge [sflag:s24], $0x1  }
0x1b: {  	[sflag:s24] =	ssyncset.done $0x0  }
0x1c: {  	s26 =	simm.s32 $0x1B8E;
	s25 =	sld [smem:$0x3FFE];
	[sflag:s24] =	ssyncadd.s32 $0xFFFFFFFF  }
0x1d: {  	s27 =	simm.s32 $execute0_lowered;
	[smem:$0x3FD2] =	sst s26  }
0x1e: {  	s5 =	sshll.u32 s27, $0x1;
	_ =	strace $0x80000049;
	[dreg:$0x1] =	wrdreg $0xFFFFFFFF  }
0x1f: {  	s28 =	simm.s32 $_size_execute0_lowered;
	s3 =	sadd.s32 s3, s5;
	[dreg:$0x0] =	wrdreg $0x0  }
0x20: {  	s5 =	sshll.u32 s28, $0x1;
	[dreg:$0x2] =	wrdreg s3  }
0x21: {  	[dreg:$0x3] =	wrdreg s5  }
0x22: {  	[dreg:$0x4] =	wrdreg $0xC0  }
0x23: {  	_ =	task [dreg:s7], $0x5FFFF  }
0x24: {  	[dreg:$0x1] =	wrdreg $0xFFFFFFFF  }
0x25: {  	[dreg:$0x0] =	wrdreg $0x60  }
0x26: {  	[dreg:$0x2] =	wrdreg s25  }
0x27: {  	[dreg:$0x3] =	wrdreg s2  }
0x28: {  	[dreg:$0x4] =	wrdreg $0x9  }
0x29: {  	_ =	task.clear_ibuf [dreg:s7], $0x5FFFF;
	_ =	strace $0x90000049  }
0x2a: {  	s29 =	simm.s32 $0x9;
	_ =	strace $0x8000004B  }
0x2b: {  	_ =	swait.ge [sflag:s29], $0x1  }
0x2c: {  	[sflag:s29] =	ssyncadd.s32 $0xFFFFFFFF  }
0x2d: {  	_ =	strace $0x9000004B  }
0x2e: {  	_ =	sfence  }
0x2f: {  	s30 =	sld [smem:$0x0];
	_ =	sdelay $0x2  }
0x30: {  	s31 =	sshll.u32 s1, $0xD;
	s1 =	sshrl.u32 s1, $0x2  }
0x31: {  	s3 =	sand.u32 $0x4000, s31;
	s1 =	sadd.s32 s1, s30  }
0x32: {  	s0 =	sor.u32 s3, s0;
	s1 =	sshll.u32 s1, $0x11  }
0x33: {  	s0 =	sor.u32 s1, s0  }
0x34: {  	s0 =	sadd.s32 $0x8F2B, s0  }
0x35: {  	[sflag:s0] =	ssyncadd.remote.s32 $0x1  }
0x36: {  	_ =	sfence.sel $0xFFFF  }
0x37: {  	[dreg:$0x0] =	wrdreg $0xFFFFFFFF;
	(pc) =	sbr.abs _section_cstart, $3  }
0x38: {  	[dreg:$0x1] =	wrdreg $0xFFFFFFFF  }
0x39: {  	_ =	task.clear_ibuf [dreg:s7], $0x2FFFF;
	_ =	strace $0x9FFFFFFF  }
0x3a: {  	(tm) =	ssettm $0x7FFFFFFF  }
0x3b: {  	_ =	shalt  }
tec
execute0_lowered:
.L_overlay_start_1:
0x0: {  	(tag) =	ssettag $0x1  }
0x1: {  	s0 =	srdreg.scid  }
0x2: {  	s1 =	sshll.u32 s0, $0x4  }
0x3: {  	s0 =	stileid.u32;
	s1 =	sand.u32 $0x10, s1  }
0x4: {  	s1 =	sor.u32 s0, s1  }
0x5: {  	s6 =	rddreg [dreg:$0x0];
	s4 =	simm.s32 $0x1;
	s2 =	sshll.u32 s1, $0x7  }
0x6: {  	s7 =	simm.s32 $0x2;
	s12 =	simm.s32 $0x0;
	s1 =	ssub.s32 $0x1000, s2  }
0x7: {  	s8 =	simm.s32 $0x8000;
	s13 =	simm.s32 $0x0;
	s3 =	sand.u32 $0xF80, s1  }
0x8: {  	s9 =	simm.s32 $0x0;
	s5 =	sshrl.u32 s1, $0xC;
	p0 =	sne.s32 s3, $0x0  }
.Ltmp0:
0x9: {  	s1 =	rddreg [dreg:$0x2];
	s4 =	simm.s32 @!p0 $0x0;
	(pc) =	sbr.rel .LBB1_1-.Ltmp0, $4  }
0xa: {  	s11 =	simm.s32 $0x0;
	s3 =	rddreg [dreg:$0x1];
	s5 =	sadd.s32 s4, s5  }
0xb: {  	_ =	strace $0x8000004A;
	s4 =	simm.s32 $0x1;
	s5 =	smul.u32 $0xC8, s5  }
0xc: {  	s6 =	sadd.s32 $0xA00, s6;
	s10 =	smov.u32 s2;
	[sflag:s4] =	ssyncpa.u1 $0x0  }
0xd: {  	p0 =	por $0x0, $0x0;
	[sflag:s7] =	ssyncpa.u1 $0x0;
	s7 =	sor.u32 $0x1, s5  }
.LBB1_4:
0xe: {  	s16 =	sshll.u32 s13, $0x3;
	s17 =	sand.u32 $0x78, s13  }
0xf: {  	s30 =	sand.u32 $0x7E00, s13;
	s12 =	sshll.u32 s12, $0xF;
	s16 =	sand.u32 $0xC00, s16  }
0x10: {  	[tilespmem:s15+$0x810 ss:$0x81] =	vst.msk $0xffff, v2;
	s31 =	sand.u32 $0x7, s13;
	s16 =	sor.u32 s17, s16;
	s17 =	sadd.s32 s3, s30  }
0x11: {  	[tilespmem:s15+$0x1020 ss:$0x81] =	vst.msk $0xffff, v0;
	s13 =	sshll.u32 s31, $0x12;
	s12 =	sadd.s32 s12, s17;
	s16 =	sshrl.u32 s16, $0x3  }
0x12: {  	[tilespmem:s15+$0x0 ss:$0x81] =	vst.msk $0xffff, v1;
	s13 =	sor.u32 $0x400, s13;
	s12 =	sadd.s32 s16, s12  }
0x13: {  	[hbm4b:s12+s13] =	stream.strided.scatter [tilespmem:s14], [sflag:$0x2], $0x2000, s8, s13, $0x20;
	[tilespmem:$0x8080] =	vst v63  }
.LBB1_5:
0x14: {  	s14 =	sadd.s32 $0x1, s9  }
0x15: {  	s12 =	sadd.s32 $0x1000, s10;
	s16 =	smov.u32 s10;
	p2 =	sgt.s32 s14, $0xC7  }
0x16: {  	s16 =	smov.u32 @p2 s12  }
0x17: {  	s14 =	simm.s32 @p2 $0x0;
	p2 =	sgt.s32 s16, $0xFFF  }
0x18: {  	s16 =	smov.u32 @p2 s2;
	p2 =	sne.s32 s11, s7  }
.Ltmp1:
0x19: {  	p1 =	slt.u32 s11, $0x2;
	(pc) =	sbr.rel @!p2 .LBB1_6-.Ltmp1, $4  }
0x1a: {  	s15 =	simm.s32 @!p1 $0x2  }
0x1b: {  	s13 =	smov.u32 s10;
	p0 =	por !p0, !p0;
	_ =	swait.ge @!p1 [sflag:s15], $0x2000  }
0x1c: {  	s12 =	smov.u32 s9;
	[sflag:s15] =	ssyncset.done @!p1 $0x0;
	s9 =	smov.u32 s14  }
0x1d: {  	s11 =	sadd.s32 $0x1, s11;
	[sflag:s15] =	ssyncadd.s32 @!p1 $0xFFFFE000;
	s10 =	smov.u32 s16  }
.LBB1_1:
0x1e: {  	p1 =	sge.u32 s11, s5  }
0x1f: {  	s14 =	sand.u32 @!p1 $0x1FFFFFF, s9  }
0x20: {  	s15 =	smulhi.u32 @!p1 $0x147AE15, s14;
	_ =	sdelay $0x1  }
0x21: {  	s15 =	smul.u32 @!p1 $0xC8, s15  }
0x22: {  	s16 =	sxor.u32 @!p1 $0xFFFFFFFF, s11;
	s17 =	smul.u32 @!p1 $0xC80, s10  }
0x23: {  	s31 =	sadd.s32 $0xFFFFFFFF, s11;
	s16 =	sshll.u32 @!p1 s16, $0xD;
	s14 =	ssub.s32 @!p1 s14, s15  }
0x24: {  	s15 =	sand.u32 @!p1 $0x2000, s16;
	s16 =	sadd.s32 @!p1 s6, s17;
	s14 =	sshll.u32 @!p1 s14, $0x4  }
0x25: {  	s17 =	simm.s32 @!p1 $0x6400;
	s14 =	sadd.s32 @!p1 s14, s16;
	s16 =	simm.s32 @!p1 $0x40  }
0x26: {  	[tilespmem:s15], [sflag:$0x1] =	stream.strided.gather @!p1 [hbm4b:s14+s16], $0x2000, s17, s16, $0x38;
	[tilespmem:$0x8080] =	vst v63  }
0x27: {  	p1 =	sge.u32 s31, s5  }
.Ltmp2:
0x28: {  	_ = 	snop;
	(pc) =	sbr.rel @p1 .LBB1_5-.Ltmp2, $1  }
0x29: {  	_ =	sdelay $0x3  }
0x2a: {  	s14 =	simm.s32 $0x1  }
0x2b: {  	_ =	swait.ge [sflag:s4], $0x2000;
	s14 =	simm.s32 @!p0 $0x0  }
0x2c: {  	[sflag:s4] =	ssyncset.done $0x0;
	s15 =	sshll.u32 s14, $0xD  }
0x2d: {  	[sflag:s4] =	ssyncadd.s32 $0xFFFFE000;
	s18 =	sor.u32 $0x20, s15  }
0x2e: {  	s14 =	smul.u32 $0x8100, s14;
	v3 =	vld [tilespmem:s18+$0x10]  }
0x2f: {  	s30 =	sand.u32 $0x1, s11;
	v2 =	vld [tilespmem:s18+$0xFFFFFFF0]  }
0x30: {  	s15 =	smul.u32 $0x8100, s30;
	s14 =	sshrl.u32 s14, $0x2;
	v0 =	vld [tilespmem:s18+$0x0]  }
0x31: {  	v1 =	vld [tilespmem:s18+$0xFFFFFFE0];
	s16 =	sor.u32 $0x4000, s14  }
0x32: {  	s31 =	sshrl.u32 s15, $0x2;
	s15 =	sadd.s32 $0x0, s16  }
0x33: {  	s17 =	simm.s32 $0x4;
	s18 =	sadd.s32 $0x40, s18;
	s14 =	sor.u32 $0x4000, s31;
	[tilespmem:s15+$0x1830 ss:$0x81] =	vst.msk $0xffff, v3  }
.LBB1_3:
0x34: {  	v3 =	vld [tilespmem:s18+$0x10];
	p1 =	sne.s32 s17, $0x1FC;
	[tilespmem:s15+$0x810 ss:$0x81] =	vst.msk $0xffff, v2;
	s19 =	smov.u32 s17;
	s17 =	sadd.s32 $0x4, s17  }
.Ltmp3:
0x35: {  	v2 =	vld [tilespmem:s18+$0xFFFFFFF0];
	[tilespmem:s15+$0x1020 ss:$0x81] =	vst.msk $0xffff, v0;
	(pc) =	sbr.rel @p1 .LBB1_3-.Ltmp3, $4  }
0x36: {  	v0 =	vld [tilespmem:s18+$0x0];
	[tilespmem:s15+$0x0 ss:$0x81] =	vst.msk $0xffff, v1  }
0x37: {  	s15 =	sshra.s32 s19, $0x2;
	v1 =	vld [tilespmem:s18+$0xFFFFFFE0]  }
0x38: {  	s15 =	sadd.s32 s15, s16  }
0x39: {  	s18 =	sadd.s32 $0x40, s18;
	[tilespmem:s15+$0x1830 ss:$0x81] =	vst.msk $0xffff, v3  }
.Ltmp4:
0x3a: {  	_ = 	snop;
	(pc) =	sbr.rel .LBB1_4-.Ltmp4, $1  }
0x3b: {  	_ =	sdelay $0x3  }
.LBB1_6:
0x3c: {  	_ =	sfence.sel $0x180000  }
0x3d: {  	s2 =	simm.s32 $0x1;
	[bflag:$0x0] =	sbarrier.arrive $0xFFFF  }
0x3e: {  	s31 =	simm.s32 $0x2;
	[sflag:s2] =	ssyncpa.u1 $0x1  }
0x3f: {  	[sflag:s31] =	ssyncpa.u1 $0x1  }
0x40: {  	p0 =	sne.s32 s0, $0x0;
	_ =	strace $0x9000004A  }
0x41: {  	s0 =	sadd.s32 @!p0 $0x100000, s1;
	[bflag:$0x2] =	sbarrier.arrive $0xFFFF  }
0x42: {  	[sflag:s0] =	ssyncadd.tile.s32 @!p0 $0x1;
	_ =	shalt  }
.Lfunc_end1:
_tile_overlayer_lowered:
.L_overlay_start_2:
0x43: {  	(tag) =	ssettag $0x2  }
0x44: {  	s0 =	rddreg [dreg:$0x0];
	s2 =	stileid.u32  }
0x45: {  	s1 =	rddreg [dreg:$0x1];
	p0 =	sne.s32 s2, $0x0  }
0x46: {  	s3 =	rddreg [dreg:$0x2];
	[bflag:$0x3] =	sbarrier.arrive $0xFFFF;
	s2 =	simm.s32 @!p0 $0x1C01  }
0x47: {  	[timem:s3], [sflag:s2] =	dma.local @!p0 [hbm:s0], s1  }
0x48: {  	s0 =	simm.s32 @!p0 $0x1  }
0x49: {  	_ =	swait.ge @!p0 [sflag:s0], s1  }
0x4a: {  	s1 =	ssub.s32 @!p0 $0x0, s1;
	[sflag:s0] =	ssyncset.done @!p0 $0x0  }
0x4b: {  	[sflag:s0] =	ssyncadd.s32 @!p0 s1  }
0x4c: {  	[bflag:$0x3] =	sbarrier.arrive $0xFFFF  }
0x4d: {  	_ =	shalt  }

</sc_bundles>
